<compile_context>
chip_gen: v7x
topology: tpu7x:2x2x1
jax: 0.10.2.dev20260603
libtpu: 0.0.44.dev20260713+nightly
codegen_flags: <defaults>
</compile_context>

<pallas_src>
import functools

import jax
import jax.numpy as jnp
from jax import lax
from jax.experimental import pallas as pl
from jax.experimental.pallas import tpu as pltpu
from jax.experimental.pallas import tpu_sc as plsc

_N_NODES = 100
_N_STATES = 1000
_BATCH = 16384
_TSTRIDE = 1024
_TWORDS = _N_NODES * _TSTRIDE

_NW = 32
_SPW = _BATCH // _NW
_HC = 128
_NH = _SPW // _HC
_GRP = _HC // 16



def _prep_body(l_ref, tab_ref):
    l = l_ref[...]
    m = jnp.max(l, axis=1, keepdims=True)
    s = jnp.sum(jnp.exp(l - m), axis=1, keepdims=True)
    lse = jnp.log(s) + m
    t = (l - lse) * jnp.float32(1.0 / _N_NODES)
    tp = jnp.concatenate(
        [t, jnp.zeros((_N_NODES, _TSTRIDE - _N_STATES), jnp.float32)], axis=1)
    tab_ref[...] = tp.reshape(_TWORDS // 128, 128)


def _prep_table(logits):
    return pl.pallas_call(
        _prep_body,
        out_shape=jax.ShapeDtypeStruct((_TWORDS // 128, 128), jnp.float32),
    )(logits)



def _sc_gather_sum(xt, tab):
    mesh = plsc.VectorSubcoreMesh(core_axis_name="c", subcore_axis_name="s")

    @functools.partial(
        pl.kernel,
        mesh=mesh,
        out_type=jax.ShapeDtypeStruct((_BATCH,), jnp.float32),
        compiler_params=pltpu.CompilerParams(needs_layout_passes=False),
        scratch_types=[
            pltpu.VMEM((_TWORDS,), jnp.float32),
            pltpu.VMEM((_N_NODES, _HC), jnp.int32),
            pltpu.VMEM((_N_NODES, _HC), jnp.int32),
            pltpu.VMEM((_SPW,), jnp.float32),
            pltpu.SemaphoreType.DMA,
            pltpu.SemaphoreType.DMA,
            pltpu.SemaphoreType.DMA,
            pltpu.SemaphoreType.DMA,
        ],
    )
    def k(xt_hbm, tab_hbm, out_hbm,
          tab_v, xa_v, xb_v, out_v,
          sem_t, sem_xa, sem_xb, sem_o):
        wid = lax.axis_index("s") * 2 + lax.axis_index("c")
        base = wid * _SPW

        h_t = pltpu.async_copy(tab_hbm, tab_v, sem_t)
        xbufs = (xa_v, xb_v)
        xsems = (sem_xa, sem_xb)
        h = [None, None]
        h[0] = pltpu.async_copy(xt_hbm.at[:, pl.ds(base, _HC)], xa_v, sem_xa)
        h[1] = pltpu.async_copy(
            xt_hbm.at[:, pl.ds(base + _HC, _HC)], xb_v, sem_xb)
        h_t.wait()
        zero = jnp.zeros((16,), jnp.float32)

        def make_body(xv):
            def body(n, accs):
                noff = n * _TSTRIDE
                new = []
                for g in range(_GRP):
                    xrow = xv[n, pl.ds(g * 16, 16)]
                    val = plsc.load_gather(tab_v, [xrow + noff])
                    new.append(accs[g] + val)
                return tuple(new)
            return body

        out_handles = []
        for hc in range(_NH):
            h[hc % 2].wait()
            xv = xbufs[hc % 2]
            accs = lax.fori_loop(0, _N_NODES, make_body(xv),
                                 (zero,) * _GRP, unroll=2)
            if hc + 2 < _NH:
                h[hc % 2] = pltpu.async_copy(
                    xt_hbm.at[:, pl.ds(base + (hc + 2) * _HC, _HC)],
                    xbufs[hc % 2], xsems[hc % 2])
            for g in range(_GRP):
                out_v[pl.ds(hc * _HC + g * 16, 16)] = accs[g]
            out_handles.append(pltpu.async_copy(
                out_v.at[pl.ds(hc * _HC, _HC)],
                out_hbm.at[pl.ds(base + hc * _HC, _HC)], sem_o))
        for oh in out_handles:
            oh.wait()

    return k(xt, tab)


def kernel(x, logits):
    tab = _prep_table(logits)
    return _sc_gather_sum(x.T, tab.reshape(-1))

# --- scband reference (transcript-rebuilt; emitter-appended) ---
"""Pipeline reference for scband-independent-density-mlp-80625126080556 (READ-ONLY COPY).

The authoritative reference and input builder live on the scoring server;
editing this copy changes nothing except your own understanding.
"""

import jax, jax.numpy as jnp
import numpy as np

N_NODES = 100
N_STATES = 1000
BATCH = 16384


def setup_inputs(seed: int = 0) -> dict:
    key = jax.random.key(seed)
    k1, k2 = jax.random.split(key)
    # x: batch of complete assignments, one state index per node
    x = jax.random.randint(k1, (BATCH, N_NODES), 0, N_STATES, dtype=jnp.int32)
    # learned parameters: one unconditional logits vector per node
    # (UnconditionalDensityVector(n_states) per node, stacked since all n_states equal)
    logits = jax.random.normal(k2, (N_NODES, N_STATES), dtype=jnp.float32)
    return {"x": x, "logits": logits}


def reference(x, logits):
    # Each node's model returns normalized log-probs over its states.
    log_probs = jax.nn.log_softmax(logits, axis=-1)  # [N_NODES, N_STATES]
    # _node_likelihood: log_prob[node] = models[node]()[x[node]], then / n_nodes
    # vmapped over the batch dimension of x.
    node_idx = jnp.arange(N_NODES)[None, :]          # [1, N_NODES]
    gathered = log_probs[node_idx, x]                # [BATCH, N_NODES] gather
    node_lp = gathered / N_NODES                     # node_likelihood per sample
    # likelihood: sum over nodes of node log-likelihoods
    out = node_lp.sum(axis=-1)                       # [BATCH]
    return out

if __name__ == "__main__":
    import jax
    _d = setup_inputs()
    print(jax.jit(kernel)(*tuple(_d.values())))

</pallas_src>

<mosaic_0001>
#map = affine_map<(d0, d1) -> (0, 0)>
#map1 = affine_map<(d0, d1) -> (0)>
module attributes {stable_mosaic.version = 14 : i64} {
  func.func @k(%arg0: i32, %arg1: i32, %arg2: memref<100x16384xi32, #tpu.memory_space<hbm>>, %arg3: memref<102400xf32, #tpu.memory_space<hbm>>, %arg4: memref<16384xf32, #tpu.memory_space<hbm>>, %arg5: memref<102400xf32, #tpu.memory_space<vmem>>, %arg6: memref<100x128xi32, #tpu.memory_space<vmem>>, %arg7: memref<100x128xi32, #tpu.memory_space<vmem>>, %arg8: memref<512xf32, #tpu.memory_space<vmem>>, %arg9: memref<!tpu.dma_semaphore, #tpu.memory_space<semaphore_mem>>, %arg10: memref<!tpu.dma_semaphore, #tpu.memory_space<semaphore_mem>>, %arg11: memref<!tpu.dma_semaphore, #tpu.memory_space<semaphore_mem>>, %arg12: memref<!tpu.dma_semaphore, #tpu.memory_space<semaphore_mem>>) attributes {dimension_semantics = [#tpu.dimension_semantics<core_parallel>, #tpu.dimension_semantics<subcore_parallel>], iteration_bounds = array<i64: 2, 16>, scalar_prefetch = 0 : i64, scratch_operands = 8 : i64, tpu.core_type = #tpu.core_type<sc_vector_subcore>, window_params = [{transform_indices = #map}, {transform_indices = #map1}, {transform_indices = #map1}]} {
    %mul3A = arith.constant 2 : i32
    %mul3A_0 = arith.muli %arg1, %mul3A : i32
    %add3A = arith.addi %mul3A_0, %arg0 : i32
    %mul3A_1 = arith.constant 512 : i32
    %mul3A_2 = arith.muli %add3A, %mul3A_1 : i32
    tpu.enqueue_dma source(%arg3 : memref<102400xf32, #tpu.memory_space<hbm>>) target(%arg5 : memref<102400xf32, #tpu.memory_space<vmem>>) target_semaphore(%arg9 : memref<!tpu.dma_semaphore, #tpu.memory_space<semaphore_mem>>)
    %dma_start3A = arith.constant 0 : i32
    %dma_start3A_3 = tpu.memref_slice %arg2[%dma_start3A, %mul3A_2] : memref<100x16384xi32, #tpu.memory_space<hbm>> -> memref<100x128xi32, #tpu.memory_space<hbm>>
    %dma_start3A_4 = arith.constant 0 : i32
    %dma_start3A_5 = tpu.memref_slice %arg2[%dma_start3A_4, %mul3A_2] : memref<100x16384xi32, #tpu.memory_space<hbm>> -> memref<100x128xi32, #tpu.memory_space<hbm>>
    tpu.enqueue_dma source(%dma_start3A_5 : memref<100x128xi32, #tpu.memory_space<hbm>>) target(%arg6 : memref<100x128xi32, #tpu.memory_space<vmem>>) target_semaphore(%arg10 : memref<!tpu.dma_semaphore, #tpu.memory_space<semaphore_mem>>)
    %add3A_6 = arith.constant 128 : i32
    %add3A_7 = arith.addi %mul3A_2, %add3A_6 : i32
    %dma_start3A_8 = arith.constant 0 : i32
    %dma_start3A_9 = tpu.memref_slice %arg2[%dma_start3A_8, %add3A_7] : memref<100x16384xi32, #tpu.memory_space<hbm>> -> memref<100x128xi32, #tpu.memory_space<hbm>>
    %dma_start3A_10 = arith.constant 0 : i32
    %dma_start3A_11 = tpu.memref_slice %arg2[%dma_start3A_10, %add3A_7] : memref<100x16384xi32, #tpu.memory_space<hbm>> -> memref<100x128xi32, #tpu.memory_space<hbm>>
    tpu.enqueue_dma source(%dma_start3A_11 : memref<100x128xi32, #tpu.memory_space<hbm>>) target(%arg7 : memref<100x128xi32, #tpu.memory_space<vmem>>) target_semaphore(%arg11 : memref<!tpu.dma_semaphore, #tpu.memory_space<semaphore_mem>>)
    tpu.wait_dma2 semaphore(%arg9 : memref<!tpu.dma_semaphore, #tpu.memory_space<semaphore_mem>>) src(%arg3 : memref<102400xf32, #tpu.memory_space<hbm>>) dst(%arg5 : memref<102400xf32, #tpu.memory_space<vmem>>)
    %broadcast_in_dim3A = arith.constant 0.000000e+00 : f32
    %broadcast_in_dim3A_12 = vector.broadcast %broadcast_in_dim3A : f32 to vector<16xf32>
    %dma_wait3A = arith.constant 0 : i32
    %dma_wait3A_13 = tpu.memref_slice %arg2[%dma_wait3A, %mul3A_2] : memref<100x16384xi32, #tpu.memory_space<hbm>> -> memref<100x128xi32, #tpu.memory_space<hbm>>
    %dma_wait3A_14 = arith.constant 0 : i32
    %dma_wait3A_15 = tpu.memref_slice %arg2[%dma_wait3A_14, %mul3A_2] : memref<100x16384xi32, #tpu.memory_space<hbm>> -> memref<100x128xi32, #tpu.memory_space<hbm>>
    tpu.wait_dma2 semaphore(%arg10 : memref<!tpu.dma_semaphore, #tpu.memory_space<semaphore_mem>>) src(%dma_wait3A_15 : memref<100x128xi32, #tpu.memory_space<hbm>>) dst(%arg6 : memref<100x128xi32, #tpu.memory_space<vmem>>)
    %scan3A = arith.constant 0 : i32
    %scan3A_16 = arith.constant 100 : i32
    %scan3A_17 = arith.addi %scan3A, %scan3A_16 : i32
    %scan3A_18 = arith.constant 2 : i32
    %scan3A_19:8 = scf.for %scan3A_182 = %scan3A to %scan3A_17 step %scan3A_18 iter_args(%scan3A_183 = %broadcast_in_dim3A_12, %scan3A_184 = %broadcast_in_dim3A_12, %scan3A_185 = %broadcast_in_dim3A_12, %scan3A_186 = %broadcast_in_dim3A_12, %scan3A_187 = %broadcast_in_dim3A_12, %scan3A_188 = %broadcast_in_dim3A_12, %scan3A_189 = %broadcast_in_dim3A_12, %scan3A_190 = %broadcast_in_dim3A_12) -> (vector<16xf32>, vector<16xf32>, vector<16xf32>, vector<16xf32>, vector<16xf32>, vector<16xf32>, vector<16xf32>, vector<16xf32>)  : i32 {
      %mul3A_191 = arith.constant 1024 : i32
      %mul3A_192 = arith.muli %scan3A_182, %mul3A_191 : i32
      %get3A = arith.index_cast %scan3A_182 : i32 to index
      %get3A_193 = arith.constant 0 : index
      %get3A_194 = tpu.vector_load %arg6[%get3A, %get3A_193] {strides = array<i32>} : memref<100x128xi32, #tpu.memory_space<vmem>>, vector<16xi32>,
      %add3A_195 = vector.broadcast %mul3A_192 : i32 to vector<16xi32>
      %add3A_196 = arith.addi %get3A_194, %add3A_195 : vector<16xi32>
      %gather3A = tpu.vector_load_idx %arg5[%add3A_196] : memref<102400xf32, #tpu.memory_space<vmem>>[vector<16xi32>], vector<16xf32>,
      %add3A_197 = arith.addf %scan3A_183, %gather3A : vector<16xf32>
      %get3A_198 = arith.index_cast %scan3A_182 : i32 to index
      %get3A_199 = arith.constant 16 : index
      %get3A_200 = tpu.vector_load %arg6[%get3A_198, %get3A_199] {strides = array<i32>} : memref<100x128xi32, #tpu.memory_space<vmem>>, vector<16xi32>,
      %add3A_201 = vector.broadcast %mul3A_192 : i32 to vector<16xi32>
      %add3A_202 = arith.addi %get3A_200, %add3A_201 : vector<16xi32>
      %gather3A_203 = tpu.vector_load_idx %arg5[%add3A_202] : memref<102400xf32, #tpu.memory_space<vmem>>[vector<16xi32>], vector<16xf32>,
      %add3A_204 = arith.addf %scan3A_184, %gather3A_203 : vector<16xf32>
      %get3A_205 = arith.index_cast %scan3A_182 : i32 to index
      %get3A_206 = arith.constant 32 : index
      %get3A_207 = tpu.vector_load %arg6[%get3A_205, %get3A_206] {strides = array<i32>} : memref<100x128xi32, #tpu.memory_space<vmem>>, vector<16xi32>,
      %add3A_208 = vector.broadcast %mul3A_192 : i32 to vector<16xi32>
      %add3A_209 = arith.addi %get3A_207, %add3A_208 : vector<16xi32>
      %gather3A_210 = tpu.vector_load_idx %arg5[%add3A_209] : memref<102400xf32, #tpu.memory_space<vmem>>[vector<16xi32>], vector<16xf32>,
      %add3A_211 = arith.addf %scan3A_185, %gather3A_210 : vector<16xf32>
      %get3A_212 = arith.index_cast %scan3A_182 : i32 to index
      %get3A_213 = arith.constant 48 : index
      %get3A_214 = tpu.vector_load %arg6[%get3A_212, %get3A_213] {strides = array<i32>} : memref<100x128xi32, #tpu.memory_space<vmem>>, vector<16xi32>,
      %add3A_215 = vector.broadcast %mul3A_192 : i32 to vector<16xi32>
      %add3A_216 = arith.addi %get3A_214, %add3A_215 : vector<16xi32>
      %gather3A_217 = tpu.vector_load_idx %arg5[%add3A_216] : memref<102400xf32, #tpu.memory_space<vmem>>[vector<16xi32>], vector<16xf32>,
      %add3A_218 = arith.addf %scan3A_186, %gather3A_217 : vector<16xf32>
      %get3A_219 = arith.index_cast %scan3A_182 : i32 to index
      %get3A_220 = arith.constant 64 : index
      %get3A_221 = tpu.vector_load %arg6[%get3A_219, %get3A_220] {strides = array<i32>} : memref<100x128xi32, #tpu.memory_space<vmem>>, vector<16xi32>,
      %add3A_222 = vector.broadcast %mul3A_192 : i32 to vector<16xi32>
      %add3A_223 = arith.addi %get3A_221, %add3A_222 : vector<16xi32>
      %gather3A_224 = tpu.vector_load_idx %arg5[%add3A_223] : memref<102400xf32, #tpu.memory_space<vmem>>[vector<16xi32>], vector<16xf32>,
      %add3A_225 = arith.addf %scan3A_187, %gather3A_224 : vector<16xf32>
      %get3A_226 = arith.index_cast %scan3A_182 : i32 to index
      %get3A_227 = arith.constant 80 : index
      %get3A_228 = tpu.vector_load %arg6[%get3A_226, %get3A_227] {strides = array<i32>} : memref<100x128xi32, #tpu.memory_space<vmem>>, vector<16xi32>,
      %add3A_229 = vector.broadcast %mul3A_192 : i32 to vector<16xi32>
      %add3A_230 = arith.addi %get3A_228, %add3A_229 : vector<16xi32>
      %gather3A_231 = tpu.vector_load_idx %arg5[%add3A_230] : memref<102400xf32, #tpu.memory_space<vmem>>[vector<16xi32>], vector<16xf32>,
      %add3A_232 = arith.addf %scan3A_188, %gather3A_231 : vector<16xf32>
      %get3A_233 = arith.index_cast %scan3A_182 : i32 to index
      %get3A_234 = arith.constant 96 : index
      %get3A_235 = tpu.vector_load %arg6[%get3A_233, %get3A_234] {strides = array<i32>} : memref<100x128xi32, #tpu.memory_space<vmem>>, vector<16xi32>,
      %add3A_236 = vector.broadcast %mul3A_192 : i32 to vector<16xi32>
      %add3A_237 = arith.addi %get3A_235, %add3A_236 : vector<16xi32>
      %gather3A_238 = tpu.vector_load_idx %arg5[%add3A_237] : memref<102400xf32, #tpu.memory_space<vmem>>[vector<16xi32>], vector<16xf32>,
      %add3A_239 = arith.addf %scan3A_189, %gather3A_238 : vector<16xf32>
      %get3A_240 = arith.index_cast %scan3A_182 : i32 to index
      %get3A_241 = arith.constant 112 : index
      %get3A_242 = tpu.vector_load %arg6[%get3A_240, %get3A_241] {strides = array<i32>} : memref<100x128xi32, #tpu.memory_space<vmem>>, vector<16xi32>,
      %add3A_243 = vector.broadcast %mul3A_192 : i32 to vector<16xi32>
      %add3A_244 = arith.addi %get3A_242, %add3A_243 : vector<16xi32>
      %gather3A_245 = tpu.vector_load_idx %arg5[%add3A_244] : memref<102400xf32, #tpu.memory_space<vmem>>[vector<16xi32>], vector<16xf32>,
      %add3A_246 = arith.addf %scan3A_190, %gather3A_245 : vector<16xf32>
      %scan3A_247 = arith.constant 1 : i32
      %scan3A_248 = arith.addi %scan3A_182, %scan3A_247 : i32
      %mul3A_249 = arith.constant 1024 : i32
      %mul3A_250 = arith.muli %scan3A_248, %mul3A_249 : i32
      %get3A_251 = arith.index_cast %scan3A_248 : i32 to index
      %get3A_252 = arith.constant 0 : index
      %get3A_253 = tpu.vector_load %arg6[%get3A_251, %get3A_252] {strides = array<i32>} : memref<100x128xi32, #tpu.memory_space<vmem>>, vector<16xi32>,
      %add3A_254 = vector.broadcast %mul3A_250 : i32 to vector<16xi32>
      %add3A_255 = arith.addi %get3A_253, %add3A_254 : vector<16xi32>
      %gather3A_256 = tpu.vector_load_idx %arg5[%add3A_255] : memref<102400xf32, #tpu.memory_space<vmem>>[vector<16xi32>], vector<16xf32>,
      %add3A_257 = arith.addf %add3A_197, %gather3A_256 : vector<16xf32>
      %get3A_258 = arith.index_cast %scan3A_248 : i32 to index
      %get3A_259 = arith.constant 16 : index
      %get3A_260 = tpu.vector_load %arg6[%get3A_258, %get3A_259] {strides = array<i32>} : memref<100x128xi32, #tpu.memory_space<vmem>>, vector<16xi32>,
      %add3A_261 = vector.broadcast %mul3A_250 : i32 to vector<16xi32>
      %add3A_262 = arith.addi %get3A_260, %add3A_261 : vector<16xi32>
      %gather3A_263 = tpu.vector_load_idx %arg5[%add3A_262] : memref<102400xf32, #tpu.memory_space<vmem>>[vector<16xi32>], vector<16xf32>,
      %add3A_264 = arith.addf %add3A_204, %gather3A_263 : vector<16xf32>
      %get3A_265 = arith.index_cast %scan3A_248 : i32 to index
      %get3A_266 = arith.constant 32 : index
      %get3A_267 = tpu.vector_load %arg6[%get3A_265, %get3A_266] {strides = array<i32>} : memref<100x128xi32, #tpu.memory_space<vmem>>, vector<16xi32>,
      %add3A_268 = vector.broadcast %mul3A_250 : i32 to vector<16xi32>
      %add3A_269 = arith.addi %get3A_267, %add3A_268 : vector<16xi32>
      %gather3A_270 = tpu.vector_load_idx %arg5[%add3A_269] : memref<102400xf32, #tpu.memory_space<vmem>>[vector<16xi32>], vector<16xf32>,
      %add3A_271 = arith.addf %add3A_211, %gather3A_270 : vector<16xf32>
      %get3A_272 = arith.index_cast %scan3A_248 : i32 to index
      %get3A_273 = arith.constant 48 : index
      %get3A_274 = tpu.vector_load %arg6[%get3A_272, %get3A_273] {strides = array<i32>} : memref<100x128xi32, #tpu.memory_space<vmem>>, vector<16xi32>,
      %add3A_275 = vector.broadcast %mul3A_250 : i32 to vector<16xi32>
      %add3A_276 = arith.addi %get3A_274, %add3A_275 : vector<16xi32>
      %gather3A_277 = tpu.vector_load_idx %arg5[%add3A_276] : memref<102400xf32, #tpu.memory_space<vmem>>[vector<16xi32>], vector<16xf32>,
      %add3A_278 = arith.addf %add3A_218, %gather3A_277 : vector<16xf32>
      %get3A_279 = arith.index_cast %scan3A_248 : i32 to index
      %get3A_280 = arith.constant 64 : index
      %get3A_281 = tpu.vector_load %arg6[%get3A_279, %get3A_280] {strides = array<i32>} : memref<100x128xi32, #tpu.memory_space<vmem>>, vector<16xi32>,
      %add3A_282 = vector.broadcast %mul3A_250 : i32 to vector<16xi32>
      %add3A_283 = arith.addi %get3A_281, %add3A_282 : vector<16xi32>
      %gather3A_284 = tpu.vector_load_idx %arg5[%add3A_283] : memref<102400xf32, #tpu.memory_space<vmem>>[vector<16xi32>], vector<16xf32>,
      %add3A_285 = arith.addf %add3A_225, %gather3A_284 : vector<16xf32>
      %get3A_286 = arith.index_cast %scan3A_248 : i32 to index
      %get3A_287 = arith.constant 80 : index
      %get3A_288 = tpu.vector_load %arg6[%get3A_286, %get3A_287] {strides = array<i32>} : memref<100x128xi32, #tpu.memory_space<vmem>>, vector<16xi32>,
      %add3A_289 = vector.broadcast %mul3A_250 : i32 to vector<16xi32>
      %add3A_290 = arith.addi %get3A_288, %add3A_289 : vector<16xi32>
      %gather3A_291 = tpu.vector_load_idx %arg5[%add3A_290] : memref<102400xf32, #tpu.memory_space<vmem>>[vector<16xi32>], vector<16xf32>,
      %add3A_292 = arith.addf %add3A_232, %gather3A_291 : vector<16xf32>
      %get3A_293 = arith.index_cast %scan3A_248 : i32 to index
      %get3A_294 = arith.constant 96 : index
      %get3A_295 = tpu.vector_load %arg6[%get3A_293, %get3A_294] {strides = array<i32>} : memref<100x128xi32, #tpu.memory_space<vmem>>, vector<16xi32>,
      %add3A_296 = vector.broadcast %mul3A_250 : i32 to vector<16xi32>
      %add3A_297 = arith.addi %get3A_295, %add3A_296 : vector<16xi32>
      %gather3A_298 = tpu.vector_load_idx %arg5[%add3A_297] : memref<102400xf32, #tpu.memory_space<vmem>>[vector<16xi32>], vector<16xf32>,
      %add3A_299 = arith.addf %add3A_239, %gather3A_298 : vector<16xf32>
      %get3A_300 = arith.index_cast %scan3A_248 : i32 to index
      %get3A_301 = arith.constant 112 : index
      %get3A_302 = tpu.vector_load %arg6[%get3A_300, %get3A_301] {strides = array<i32>} : memref<100x128xi32, #tpu.memory_space<vmem>>, vector<16xi32>,
      %add3A_303 = vector.broadcast %mul3A_250 : i32 to vector<16xi32>
      %add3A_304 = arith.addi %get3A_302, %add3A_303 : vector<16xi32>
      %gather3A_305 = tpu.vector_load_idx %arg5[%add3A_304] : memref<102400xf32, #tpu.memory_space<vmem>>[vector<16xi32>], vector<16xf32>,
      %add3A_306 = arith.addf %add3A_246, %gather3A_305 : vector<16xf32>
      scf.yield %add3A_257, %add3A_264, %add3A_271, %add3A_278, %add3A_285, %add3A_292, %add3A_299, %add3A_306 : vector<16xf32>, vector<16xf32>, vector<16xf32>, vector<16xf32>, vector<16xf32>, vector<16xf32>, vector<16xf32>, vector<16xf32>
    }
    %scan3A_20 = arith.constant 100 : i32
    %add3A_21 = arith.constant 256 : i32
    %add3A_22 = arith.addi %mul3A_2, %add3A_21 : i32
    %dma_start3A_23 = arith.constant 0 : i32
    %dma_start3A_24 = tpu.memref_slice %arg2[%dma_start3A_23, %add3A_22] : memref<100x16384xi32, #tpu.memory_space<hbm>> -> memref<100x128xi32, #tpu.memory_space<hbm>>
    %dma_start3A_25 = arith.constant 0 : i32
    %dma_start3A_26 = tpu.memref_slice %arg2[%dma_start3A_25, %add3A_22] : memref<100x16384xi32, #tpu.memory_space<hbm>> -> memref<100x128xi32, #tpu.memory_space<hbm>>
    tpu.enqueue_dma source(%dma_start3A_26 : memref<100x128xi32, #tpu.memory_space<hbm>>) target(%arg6 : memref<100x128xi32, #tpu.memory_space<vmem>>) target_semaphore(%arg10 : memref<!tpu.dma_semaphore, #tpu.memory_space<semaphore_mem>>)
    %swap3A = arith.constant 0 : index
    %swap3A_27 = tpu.vector_load %arg8[%swap3A] {strides = array<i32>} : memref<512xf32, #tpu.memory_space<vmem>>, vector<16xf32>,
    tpu.vector_store %arg8[%swap3A], %scan3A_19#0 {strides = array<i32>} : memref<512xf32, #tpu.memory_space<vmem>>, vector<16xf32>,
    %swap3A_28 = arith.constant 16 : index
    %swap3A_29 = tpu.vector_load %arg8[%swap3A_28] {strides = array<i32>} : memref<512xf32, #tpu.memory_space<vmem>>, vector<16xf32>,
    tpu.vector_store %arg8[%swap3A_28], %scan3A_19#1 {strides = array<i32>} : memref<512xf32, #tpu.memory_space<vmem>>, vector<16xf32>,
    %swap3A_30 = arith.constant 32 : index
    %swap3A_31 = tpu.vector_load %arg8[%swap3A_30] {strides = array<i32>} : memref<512xf32, #tpu.memory_space<vmem>>, vector<16xf32>,
    tpu.vector_store %arg8[%swap3A_30], %scan3A_19#2 {strides = array<i32>} : memref<512xf32, #tpu.memory_space<vmem>>, vector<16xf32>,
    %swap3A_32 = arith.constant 48 : index
    %swap3A_33 = tpu.vector_load %arg8[%swap3A_32] {strides = array<i32>} : memref<512xf32, #tpu.memory_space<vmem>>, vector<16xf32>,
    tpu.vector_store %arg8[%swap3A_32], %scan3A_19#3 {strides = array<i32>} : memref<512xf32, #tpu.memory_space<vmem>>, vector<16xf32>,
    %swap3A_34 = arith.constant 64 : index
    %swap3A_35 = tpu.vector_load %arg8[%swap3A_34] {strides = array<i32>} : memref<512xf32, #tpu.memory_space<vmem>>, vector<16xf32>,
    tpu.vector_store %arg8[%swap3A_34], %scan3A_19#4 {strides = array<i32>} : memref<512xf32, #tpu.memory_space<vmem>>, vector<16xf32>,
    %swap3A_36 = arith.constant 80 : index
    %swap3A_37 = tpu.vector_load %arg8[%swap3A_36] {strides = array<i32>} : memref<512xf32, #tpu.memory_space<vmem>>, vector<16xf32>,
    tpu.vector_store %arg8[%swap3A_36], %scan3A_19#5 {strides = array<i32>} : memref<512xf32, #tpu.memory_space<vmem>>, vector<16xf32>,
    %swap3A_38 = arith.constant 96 : index
    %swap3A_39 = tpu.vector_load %arg8[%swap3A_38] {strides = array<i32>} : memref<512xf32, #tpu.memory_space<vmem>>, vector<16xf32>,
    tpu.vector_store %arg8[%swap3A_38], %scan3A_19#6 {strides = array<i32>} : memref<512xf32, #tpu.memory_space<vmem>>, vector<16xf32>,
    %swap3A_40 = arith.constant 112 : index
    %swap3A_41 = tpu.vector_load %arg8[%swap3A_40] {strides = array<i32>} : memref<512xf32, #tpu.memory_space<vmem>>, vector<16xf32>,
    tpu.vector_store %arg8[%swap3A_40], %scan3A_19#7 {strides = array<i32>} : memref<512xf32, #tpu.memory_space<vmem>>, vector<16xf32>,
    %add3A_42 = arith.constant 0 : i32
    %add3A_43 = arith.addi %mul3A_2, %add3A_42 : i32
    %dma_start3A_44 = arith.constant 0 : i32
    %dma_start3A_45 = tpu.memref_slice %arg8[%dma_start3A_44] : memref<512xf32, #tpu.memory_space<vmem>> -> memref<128xf32, #tpu.memory_space<vmem>>
    %dma_start3A_46 = tpu.memref_slice %arg4[%add3A_43] : memref<16384xf32, #tpu.memory_space<hbm>> -> memref<128xf32, #tpu.memory_space<hbm>>
    %dma_start3A_47 = tpu.memref_slice %arg4[%add3A_43] : memref<16384xf32, #tpu.memory_space<hbm>> -> memref<128xf32, #tpu.memory_space<hbm>>
    %dma_start3A_48 = arith.constant 0 : i32
    %dma_start3A_49 = tpu.memref_slice %arg8[%dma_start3A_48] : memref<512xf32, #tpu.memory_space<vmem>> -> memref<128xf32, #tpu.memory_space<vmem>>
    tpu.enqueue_dma source(%dma_start3A_49 : memref<128xf32, #tpu.memory_space<vmem>>) target(%dma_start3A_47 : memref<128xf32, #tpu.memory_space<hbm>>) target_semaphore(%arg12 : memref<!tpu.dma_semaphore, #tpu.memory_space<semaphore_mem>>)
    %dma_wait3A_50 = arith.constant 0 : i32
    %dma_wait3A_51 = tpu.memref_slice %arg2[%dma_wait3A_50, %add3A_7] : memref<100x16384xi32, #tpu.memory_space<hbm>> -> memref<100x128xi32, #tpu.memory_space<hbm>>
    %dma_wait3A_52 = arith.constant 0 : i32
    %dma_wait3A_53 = tpu.memref_slice %arg2[%dma_wait3A_52, %add3A_7] : memref<100x16384xi32, #tpu.memory_space<hbm>> -> memref<100x128xi32, #tpu.memory_space<hbm>>
    tpu.wait_dma2 semaphore(%arg11 : memref<!tpu.dma_semaphore, #tpu.memory_space<semaphore_mem>>) src(%dma_wait3A_53 : memref<100x128xi32, #tpu.memory_space<hbm>>) dst(%arg7 : memref<100x128xi32, #tpu.memory_space<vmem>>)
    %scan3A_54 = arith.constant 0 : i32
    %scan3A_55 = arith.constant 100 : i32
    %scan3A_56 = arith.addi %scan3A_54, %scan3A_55 : i32
    %scan3A_57 = arith.constant 2 : i32
    %scan3A_58:8 = scf.for %scan3A_182 = %scan3A_54 to %scan3A_56 step %scan3A_57 iter_args(%scan3A_183 = %broadcast_in_dim3A_12, %scan3A_184 = %broadcast_in_dim3A_12, %scan3A_185 = %broadcast_in_dim3A_12, %scan3A_186 = %broadcast_in_dim3A_12, %scan3A_187 = %broadcast_in_dim3A_12, %scan3A_188 = %broadcast_in_dim3A_12, %scan3A_189 = %broadcast_in_dim3A_12, %scan3A_190 = %broadcast_in_dim3A_12) -> (vector<16xf32>, vector<16xf32>, vector<16xf32>, vector<16xf32>, vector<16xf32>, vector<16xf32>, vector<16xf32>, vector<16xf32>)  : i32 {
      %mul3A_191 = arith.constant 1024 : i32
      %mul3A_192 = arith.muli %scan3A_182, %mul3A_191 : i32
      %get3A = arith.index_cast %scan3A_182 : i32 to index
      %get3A_193 = arith.constant 0 : index
      %get3A_194 = tpu.vector_load %arg7[%get3A, %get3A_193] {strides = array<i32>} : memref<100x128xi32, #tpu.memory_space<vmem>>, vector<16xi32>,
      %add3A_195 = vector.broadcast %mul3A_192 : i32 to vector<16xi32>
      %add3A_196 = arith.addi %get3A_194, %add3A_195 : vector<16xi32>
      %gather3A = tpu.vector_load_idx %arg5[%add3A_196] : memref<102400xf32, #tpu.memory_space<vmem>>[vector<16xi32>], vector<16xf32>,
      %add3A_197 = arith.addf %scan3A_183, %gather3A : vector<16xf32>
      %get3A_198 = arith.index_cast %scan3A_182 : i32 to index
      %get3A_199 = arith.constant 16 : index
      %get3A_200 = tpu.vector_load %arg7[%get3A_198, %get3A_199] {strides = array<i32>} : memref<100x128xi32, #tpu.memory_space<vmem>>, vector<16xi32>,
      %add3A_201 = vector.broadcast %mul3A_192 : i32 to vector<16xi32>
      %add3A_202 = arith.addi %get3A_200, %add3A_201 : vector<16xi32>
      %gather3A_203 = tpu.vector_load_idx %arg5[%add3A_202] : memref<102400xf32, #tpu.memory_space<vmem>>[vector<16xi32>], vector<16xf32>,
      %add3A_204 = arith.addf %scan3A_184, %gather3A_203 : vector<16xf32>
      %get3A_205 = arith.index_cast %scan3A_182 : i32 to index
      %get3A_206 = arith.constant 32 : index
      %get3A_207 = tpu.vector_load %arg7[%get3A_205, %get3A_206] {strides = array<i32>} : memref<100x128xi32, #tpu.memory_space<vmem>>, vector<16xi32>,
      %add3A_208 = vector.broadcast %mul3A_192 : i32 to vector<16xi32>
      %add3A_209 = arith.addi %get3A_207, %add3A_208 : vector<16xi32>
      %gather3A_210 = tpu.vector_load_idx %arg5[%add3A_209] : memref<102400xf32, #tpu.memory_space<vmem>>[vector<16xi32>], vector<16xf32>,
      %add3A_211 = arith.addf %scan3A_185, %gather3A_210 : vector<16xf32>
      %get3A_212 = arith.index_cast %scan3A_182 : i32 to index
      %get3A_213 = arith.constant 48 : index
      %get3A_214 = tpu.vector_load %arg7[%get3A_212, %get3A_213] {strides = array<i32>} : memref<100x128xi32, #tpu.memory_space<vmem>>, vector<16xi32>,
      %add3A_215 = vector.broadcast %mul3A_192 : i32 to vector<16xi32>
      %add3A_216 = arith.addi %get3A_214, %add3A_215 : vector<16xi32>
      %gather3A_217 = tpu.vector_load_idx %arg5[%add3A_216] : memref<102400xf32, #tpu.memory_space<vmem>>[vector<16xi32>], vector<16xf32>,
      %add3A_218 = arith.addf %scan3A_186, %gather3A_217 : vector<16xf32>
      %get3A_219 = arith.index_cast %scan3A_182 : i32 to index
      %get3A_220 = arith.constant 64 : index
      %get3A_221 = tpu.vector_load %arg7[%get3A_219, %get3A_220] {strides = array<i32>} : memref<100x128xi32, #tpu.memory_space<vmem>>, vector<16xi32>,
      %add3A_222 = vector.broadcast %mul3A_192 : i32 to vector<16xi32>
      %add3A_223 = arith.addi %get3A_221, %add3A_222 : vector<16xi32>
      %gather3A_224 = tpu.vector_load_idx %arg5[%add3A_223] : memref<102400xf32, #tpu.memory_space<vmem>>[vector<16xi32>], vector<16xf32>,
      %add3A_225 = arith.addf %scan3A_187, %gather3A_224 : vector<16xf32>
      %get3A_226 = arith.index_cast %scan3A_182 : i32 to index
      %get3A_227 = arith.constant 80 : index
      %get3A_228 = tpu.vector_load %arg7[%get3A_226, %get3A_227] {strides = array<i32>} : memref<100x128xi32, #tpu.memory_space<vmem>>, vector<16xi32>,
      %add3A_229 = vector.broadcast %mul3A_192 : i32 to vector<16xi32>
      %add3A_230 = arith.addi %get3A_228, %add3A_229 : vector<16xi32>
      %gather3A_231 = tpu.vector_load_idx %arg5[%add3A_230] : memref<102400xf32, #tpu.memory_space<vmem>>[vector<16xi32>], vector<16xf32>,
      %add3A_232 = arith.addf %scan3A_188, %gather3A_231 : vector<16xf32>
      %get3A_233 = arith.index_cast %scan3A_182 : i32 to index
      %get3A_234 = arith.constant 96 : index
      %get3A_235 = tpu.vector_load %arg7[%get3A_233, %get3A_234] {strides = array<i32>} : memref<100x128xi32, #tpu.memory_space<vmem>>, vector<16xi32>,
      %add3A_236 = vector.broadcast %mul3A_192 : i32 to vector<16xi32>
      %add3A_237 = arith.addi %get3A_235, %add3A_236 : vector<16xi32>
      %gather3A_238 = tpu.vector_load_idx %arg5[%add3A_237] : memref<102400xf32, #tpu.memory_space<vmem>>[vector<16xi32>], vector<16xf32>,
      %add3A_239 = arith.addf %scan3A_189, %gather3A_238 : vector<16xf32>
      %get3A_240 = arith.index_cast %scan3A_182 : i32 to index
      %get3A_241 = arith.constant 112 : index
      %get3A_242 = tpu.vector_load %arg7[%get3A_240, %get3A_241] {strides = array<i32>} : memref<100x128xi32, #tpu.memory_space<vmem>>, vector<16xi32>,
      %add3A_243 = vector.broadcast %mul3A_192 : i32 to vector<16xi32>
      %add3A_244 = arith.addi %get3A_242, %add3A_243 : vector<16xi32>
      %gather3A_245 = tpu.vector_load_idx %arg5[%add3A_244] : memref<102400xf32, #tpu.memory_space<vmem>>[vector<16xi32>], vector<16xf32>,
      %add3A_246 = arith.addf %scan3A_190, %gather3A_245 : vector<16xf32>
      %scan3A_247 = arith.constant 1 : i32
      %scan3A_248 = arith.addi %scan3A_182, %scan3A_247 : i32
      %mul3A_249 = arith.constant 1024 : i32
      %mul3A_250 = arith.muli %scan3A_248, %mul3A_249 : i32
      %get3A_251 = arith.index_cast %scan3A_248 : i32 to index
      %get3A_252 = arith.constant 0 : index
      %get3A_253 = tpu.vector_load %arg7[%get3A_251, %get3A_252] {strides = array<i32>} : memref<100x128xi32, #tpu.memory_space<vmem>>, vector<16xi32>,
      %add3A_254 = vector.broadcast %mul3A_250 : i32 to vector<16xi32>
      %add3A_255 = arith.addi %get3A_253, %add3A_254 : vector<16xi32>
      %gather3A_256 = tpu.vector_load_idx %arg5[%add3A_255] : memref<102400xf32, #tpu.memory_space<vmem>>[vector<16xi32>], vector<16xf32>,
      %add3A_257 = arith.addf %add3A_197, %gather3A_256 : vector<16xf32>
      %get3A_258 = arith.index_cast %scan3A_248 : i32 to index
      %get3A_259 = arith.constant 16 : index
      %get3A_260 = tpu.vector_load %arg7[%get3A_258, %get3A_259] {strides = array<i32>} : memref<100x128xi32, #tpu.memory_space<vmem>>, vector<16xi32>,
      %add3A_261 = vector.broadcast %mul3A_250 : i32 to vector<16xi32>
      %add3A_262 = arith.addi %get3A_260, %add3A_261 : vector<16xi32>
      %gather3A_263 = tpu.vector_load_idx %arg5[%add3A_262] : memref<102400xf32, #tpu.memory_space<vmem>>[vector<16xi32>], vector<16xf32>,
      %add3A_264 = arith.addf %add3A_204, %gather3A_263 : vector<16xf32>
      %get3A_265 = arith.index_cast %scan3A_248 : i32 to index
      %get3A_266 = arith.constant 32 : index
      %get3A_267 = tpu.vector_load %arg7[%get3A_265, %get3A_266] {strides = array<i32>} : memref<100x128xi32, #tpu.memory_space<vmem>>, vector<16xi32>,
      %add3A_268 = vector.broadcast %mul3A_250 : i32 to vector<16xi32>
      %add3A_269 = arith.addi %get3A_267, %add3A_268 : vector<16xi32>
      %gather3A_270 = tpu.vector_load_idx %arg5[%add3A_269] : memref<102400xf32, #tpu.memory_space<vmem>>[vector<16xi32>], vector<16xf32>,
      %add3A_271 = arith.addf %add3A_211, %gather3A_270 : vector<16xf32>
      %get3A_272 = arith.index_cast %scan3A_248 : i32 to index
      %get3A_273 = arith.constant 48 : index
      %get3A_274 = tpu.vector_load %arg7[%get3A_272, %get3A_273] {strides = array<i32>} : memref<100x128xi32, #tpu.memory_space<vmem>>, vector<16xi32>,
      %add3A_275 = vector.broadcast %mul3A_250 : i32 to vector<16xi32>
      %add3A_276 = arith.addi %get3A_274, %add3A_275 : vector<16xi32>
      %gather3A_277 = tpu.vector_load_idx %arg5[%add3A_276] : memref<102400xf32, #tpu.memory_space<vmem>>[vector<16xi32>], vector<16xf32>,
      %add3A_278 = arith.addf %add3A_218, %gather3A_277 : vector<16xf32>
      %get3A_279 = arith.index_cast %scan3A_248 : i32 to index
      %get3A_280 = arith.constant 64 : index
      %get3A_281 = tpu.vector_load %arg7[%get3A_279, %get3A_280] {strides = array<i32>} : memref<100x128xi32, #tpu.memory_space<vmem>>, vector<16xi32>,
      %add3A_282 = vector.broadcast %mul3A_250 : i32 to vector<16xi32>
      %add3A_283 = arith.addi %get3A_281, %add3A_282 : vector<16xi32>
      %gather3A_284 = tpu.vector_load_idx %arg5[%add3A_283] : memref<102400xf32, #tpu.memory_space<vmem>>[vector<16xi32>], vector<16xf32>,
      %add3A_285 = arith.addf %add3A_225, %gather3A_284 : vector<16xf32>
      %get3A_286 = arith.index_cast %scan3A_248 : i32 to index
      %get3A_287 = arith.constant 80 : index
      %get3A_288 = tpu.vector_load %arg7[%get3A_286, %get3A_287] {strides = array<i32>} : memref<100x128xi32, #tpu.memory_space<vmem>>, vector<16xi32>,
      %add3A_289 = vector.broadcast %mul3A_250 : i32 to vector<16xi32>
      %add3A_290 = arith.addi %get3A_288, %add3A_289 : vector<16xi32>
      %gather3A_291 = tpu.vector_load_idx %arg5[%add3A_290] : memref<102400xf32, #tpu.memory_space<vmem>>[vector<16xi32>], vector<16xf32>,
      %add3A_292 = arith.addf %add3A_232, %gather3A_291 : vector<16xf32>
      %get3A_293 = arith.index_cast %scan3A_248 : i32 to index
      %get3A_294 = arith.constant 96 : index
      %get3A_295 = tpu.vector_load %arg7[%get3A_293, %get3A_294] {strides = array<i32>} : memref<100x128xi32, #tpu.memory_space<vmem>>, vector<16xi32>,
      %add3A_296 = vector.broadcast %mul3A_250 : i32 to vector<16xi32>
      %add3A_297 = arith.addi %get3A_295, %add3A_296 : vector<16xi32>
      %gather3A_298 = tpu.vector_load_idx %arg5[%add3A_297] : memref<102400xf32, #tpu.memory_space<vmem>>[vector<16xi32>], vector<16xf32>,
      %add3A_299 = arith.addf %add3A_239, %gather3A_298 : vector<16xf32>
      %get3A_300 = arith.index_cast %scan3A_248 : i32 to index
      %get3A_301 = arith.constant 112 : index
      %get3A_302 = tpu.vector_load %arg7[%get3A_300, %get3A_301] {strides = array<i32>} : memref<100x128xi32, #tpu.memory_space<vmem>>, vector<16xi32>,
      %add3A_303 = vector.broadcast %mul3A_250 : i32 to vector<16xi32>
      %add3A_304 = arith.addi %get3A_302, %add3A_303 : vector<16xi32>
      %gather3A_305 = tpu.vector_load_idx %arg5[%add3A_304] : memref<102400xf32, #tpu.memory_space<vmem>>[vector<16xi32>], vector<16xf32>,
      %add3A_306 = arith.addf %add3A_246, %gather3A_305 : vector<16xf32>
      scf.yield %add3A_257, %add3A_264, %add3A_271, %add3A_278, %add3A_285, %add3A_292, %add3A_299, %add3A_306 : vector<16xf32>, vector<16xf32>, vector<16xf32>, vector<16xf32>, vector<16xf32>, vector<16xf32>, vector<16xf32>, vector<16xf32>
    }
    %scan3A_59 = arith.constant 100 : i32
    %add3A_60 = arith.constant 384 : i32
    %add3A_61 = arith.addi %mul3A_2, %add3A_60 : i32
    %dma_start3A_62 = arith.constant 0 : i32
    %dma_start3A_63 = tpu.memref_slice %arg2[%dma_start3A_62, %add3A_61] : memref<100x16384xi32, #tpu.memory_space<hbm>> -> memref<100x128xi32, #tpu.memory_space<hbm>>
    %dma_start3A_64 = arith.constant 0 : i32
    %dma_start3A_65 = tpu.memref_slice %arg2[%dma_start3A_64, %add3A_61] : memref<100x16384xi32, #tpu.memory_space<hbm>> -> memref<100x128xi32, #tpu.memory_space<hbm>>
    tpu.enqueue_dma source(%dma_start3A_65 : memref<100x128xi32, #tpu.memory_space<hbm>>) target(%arg7 : memref<100x128xi32, #tpu.memory_space<vmem>>) target_semaphore(%arg11 : memref<!tpu.dma_semaphore, #tpu.memory_space<semaphore_mem>>)
    %swap3A_66 = arith.constant 128 : index
    %swap3A_67 = tpu.vector_load %arg8[%swap3A_66] {strides = array<i32>} : memref<512xf32, #tpu.memory_space<vmem>>, vector<16xf32>,
    tpu.vector_store %arg8[%swap3A_66], %scan3A_58#0 {strides = array<i32>} : memref<512xf32, #tpu.memory_space<vmem>>, vector<16xf32>,
    %swap3A_68 = arith.constant 144 : index
    %swap3A_69 = tpu.vector_load %arg8[%swap3A_68] {strides = array<i32>} : memref<512xf32, #tpu.memory_space<vmem>>, vector<16xf32>,
    tpu.vector_store %arg8[%swap3A_68], %scan3A_58#1 {strides = array<i32>} : memref<512xf32, #tpu.memory_space<vmem>>, vector<16xf32>,
    %swap3A_70 = arith.constant 160 : index
    %swap3A_71 = tpu.vector_load %arg8[%swap3A_70] {strides = array<i32>} : memref<512xf32, #tpu.memory_space<vmem>>, vector<16xf32>,
    tpu.vector_store %arg8[%swap3A_70], %scan3A_58#2 {strides = array<i32>} : memref<512xf32, #tpu.memory_space<vmem>>, vector<16xf32>,
    %swap3A_72 = arith.constant 176 : index
    %swap3A_73 = tpu.vector_load %arg8[%swap3A_72] {strides = array<i32>} : memref<512xf32, #tpu.memory_space<vmem>>, vector<16xf32>,
    tpu.vector_store %arg8[%swap3A_72], %scan3A_58#3 {strides = array<i32>} : memref<512xf32, #tpu.memory_space<vmem>>, vector<16xf32>,
    %swap3A_74 = arith.constant 192 : index
    %swap3A_75 = tpu.vector_load %arg8[%swap3A_74] {strides = array<i32>} : memref<512xf32, #tpu.memory_space<vmem>>, vector<16xf32>,
    tpu.vector_store %arg8[%swap3A_74], %scan3A_58#4 {strides = array<i32>} : memref<512xf32, #tpu.memory_space<vmem>>, vector<16xf32>,
    %swap3A_76 = arith.constant 208 : index
    %swap3A_77 = tpu.vector_load %arg8[%swap3A_76] {strides = array<i32>} : memref<512xf32, #tpu.memory_space<vmem>>, vector<16xf32>,
    tpu.vector_store %arg8[%swap3A_76], %scan3A_58#5 {strides = array<i32>} : memref<512xf32, #tpu.memory_space<vmem>>, vector<16xf32>,
    %swap3A_78 = arith.constant 224 : index
    %swap3A_79 = tpu.vector_load %arg8[%swap3A_78] {strides = array<i32>} : memref<512xf32, #tpu.memory_space<vmem>>, vector<16xf32>,
    tpu.vector_store %arg8[%swap3A_78], %scan3A_58#6 {strides = array<i32>} : memref<512xf32, #tpu.memory_space<vmem>>, vector<16xf32>,
    %swap3A_80 = arith.constant 240 : index
    %swap3A_81 = tpu.vector_load %arg8[%swap3A_80] {strides = array<i32>} : memref<512xf32, #tpu.memory_space<vmem>>, vector<16xf32>,
    tpu.vector_store %arg8[%swap3A_80], %scan3A_58#7 {strides = array<i32>} : memref<512xf32, #tpu.memory_space<vmem>>, vector<16xf32>,
    %add3A_82 = arith.constant 128 : i32
    %add3A_83 = arith.addi %mul3A_2, %add3A_82 : i32
    %dma_start3A_84 = arith.constant 128 : i32
    %dma_start3A_85 = tpu.memref_slice %arg8[%dma_start3A_84] : memref<512xf32, #tpu.memory_space<vmem>> -> memref<128xf32, #tpu.memory_space<vmem>>
    %dma_start3A_86 = tpu.memref_slice %arg4[%add3A_83] : memref<16384xf32, #tpu.memory_space<hbm>> -> memref<128xf32, #tpu.memory_space<hbm>>
    %dma_start3A_87 = tpu.memref_slice %arg4[%add3A_83] : memref<16384xf32, #tpu.memory_space<hbm>> -> memref<128xf32, #tpu.memory_space<hbm>>
    %dma_start3A_88 = arith.constant 128 : i32
    %dma_start3A_89 = tpu.memref_slice %arg8[%dma_start3A_88] : memref<512xf32, #tpu.memory_space<vmem>> -> memref<128xf32, #tpu.memory_space<vmem>>
    tpu.enqueue_dma source(%dma_start3A_89 : memref<128xf32, #tpu.memory_space<vmem>>) target(%dma_start3A_87 : memref<128xf32, #tpu.memory_space<hbm>>) target_semaphore(%arg12 : memref<!tpu.dma_semaphore, #tpu.memory_space<semaphore_mem>>)
    %dma_wait3A_90 = arith.constant 0 : i32
    %dma_wait3A_91 = tpu.memref_slice %arg2[%dma_wait3A_90, %add3A_22] : memref<100x16384xi32, #tpu.memory_space<hbm>> -> memref<100x128xi32, #tpu.memory_space<hbm>>
    %dma_wait3A_92 = arith.constant 0 : i32
    %dma_wait3A_93 = tpu.memref_slice %arg2[%dma_wait3A_92, %add3A_22] : memref<100x16384xi32, #tpu.memory_space<hbm>> -> memref<100x128xi32, #tpu.memory_space<hbm>>
    tpu.wait_dma2 semaphore(%arg10 : memref<!tpu.dma_semaphore, #tpu.memory_space<semaphore_mem>>) src(%dma_wait3A_93 : memref<100x128xi32, #tpu.memory_space<hbm>>) dst(%arg6 : memref<100x128xi32, #tpu.memory_space<vmem>>)
    %scan3A_94 = arith.constant 0 : i32
    %scan3A_95 = arith.constant 100 : i32
    %scan3A_96 = arith.addi %scan3A_94, %scan3A_95 : i32
    %scan3A_97 = arith.constant 2 : i32
    %scan3A_98:8 = scf.for %scan3A_182 = %scan3A_94 to %scan3A_96 step %scan3A_97 iter_args(%scan3A_183 = %broadcast_in_dim3A_12, %scan3A_184 = %broadcast_in_dim3A_12, %scan3A_185 = %broadcast_in_dim3A_12, %scan3A_186 = %broadcast_in_dim3A_12, %scan3A_187 = %broadcast_in_dim3A_12, %scan3A_188 = %broadcast_in_dim3A_12, %scan3A_189 = %broadcast_in_dim3A_12, %scan3A_190 = %broadcast_in_dim3A_12) -> (vector<16xf32>, vector<16xf32>, vector<16xf32>, vector<16xf32>, vector<16xf32>, vector<16xf32>, vector<16xf32>, vector<16xf32>)  : i32 {
      %mul3A_191 = arith.constant 1024 : i32
      %mul3A_192 = arith.muli %scan3A_182, %mul3A_191 : i32
      %get3A = arith.index_cast %scan3A_182 : i32 to index
      %get3A_193 = arith.constant 0 : index
      %get3A_194 = tpu.vector_load %arg6[%get3A, %get3A_193] {strides = array<i32>} : memref<100x128xi32, #tpu.memory_space<vmem>>, vector<16xi32>,
      %add3A_195 = vector.broadcast %mul3A_192 : i32 to vector<16xi32>
      %add3A_196 = arith.addi %get3A_194, %add3A_195 : vector<16xi32>
      %gather3A = tpu.vector_load_idx %arg5[%add3A_196] : memref<102400xf32, #tpu.memory_space<vmem>>[vector<16xi32>], vector<16xf32>,
      %add3A_197 = arith.addf %scan3A_183, %gather3A : vector<16xf32>
      %get3A_198 = arith.index_cast %scan3A_182 : i32 to index
      %get3A_199 = arith.constant 16 : index
      %get3A_200 = tpu.vector_load %arg6[%get3A_198, %get3A_199] {strides = array<i32>} : memref<100x128xi32, #tpu.memory_space<vmem>>, vector<16xi32>,
      %add3A_201 = vector.broadcast %mul3A_192 : i32 to vector<16xi32>
      %add3A_202 = arith.addi %get3A_200, %add3A_201 : vector<16xi32>
      %gather3A_203 = tpu.vector_load_idx %arg5[%add3A_202] : memref<102400xf32, #tpu.memory_space<vmem>>[vector<16xi32>], vector<16xf32>,
      %add3A_204 = arith.addf %scan3A_184, %gather3A_203 : vector<16xf32>
      %get3A_205 = arith.index_cast %scan3A_182 : i32 to index
      %get3A_206 = arith.constant 32 : index
      %get3A_207 = tpu.vector_load %arg6[%get3A_205, %get3A_206] {strides = array<i32>} : memref<100x128xi32, #tpu.memory_space<vmem>>, vector<16xi32>,
      %add3A_208 = vector.broadcast %mul3A_192 : i32 to vector<16xi32>
      %add3A_209 = arith.addi %get3A_207, %add3A_208 : vector<16xi32>
      %gather3A_210 = tpu.vector_load_idx %arg5[%add3A_209] : memref<102400xf32, #tpu.memory_space<vmem>>[vector<16xi32>], vector<16xf32>,
      %add3A_211 = arith.addf %scan3A_185, %gather3A_210 : vector<16xf32>
      %get3A_212 = arith.index_cast %scan3A_182 : i32 to index
      %get3A_213 = arith.constant 48 : index
      %get3A_214 = tpu.vector_load %arg6[%get3A_212, %get3A_213] {strides = array<i32>} : memref<100x128xi32, #tpu.memory_space<vmem>>, vector<16xi32>,
      %add3A_215 = vector.broadcast %mul3A_192 : i32 to vector<16xi32>
      %add3A_216 = arith.addi %get3A_214, %add3A_215 : vector<16xi32>
      %gather3A_217 = tpu.vector_load_idx %arg5[%add3A_216] : memref<102400xf32, #tpu.memory_space<vmem>>[vector<16xi32>], vector<16xf32>,
      %add3A_218 = arith.addf %scan3A_186, %gather3A_217 : vector<16xf32>
      %get3A_219 = arith.index_cast %scan3A_182 : i32 to index
      %get3A_220 = arith.constant 64 : index
      %get3A_221 = tpu.vector_load %arg6[%get3A_219, %get3A_220] {strides = array<i32>} : memref<100x128xi32, #tpu.memory_space<vmem>>, vector<16xi32>,
      %add3A_222 = vector.broadcast %mul3A_192 : i32 to vector<16xi32>
      %add3A_223 = arith.addi %get3A_221, %add3A_222 : vector<16xi32>
      %gather3A_224 = tpu.vector_load_idx %arg5[%add3A_223] : memref<102400xf32, #tpu.memory_space<vmem>>[vector<16xi32>], vector<16xf32>,
      %add3A_225 = arith.addf %scan3A_187, %gather3A_224 : vector<16xf32>
      %get3A_226 = arith.index_cast %scan3A_182 : i32 to index
      %get3A_227 = arith.constant 80 : index
      %get3A_228 = tpu.vector_load %arg6[%get3A_226, %get3A_227] {strides = array<i32>} : memref<100x128xi32, #tpu.memory_space<vmem>>, vector<16xi32>,
      %add3A_229 = vector.broadcast %mul3A_192 : i32 to vector<16xi32>
      %add3A_230 = arith.addi %get3A_228, %add3A_229 : vector<16xi32>
      %gather3A_231 = tpu.vector_load_idx %arg5[%add3A_230] : memref<102400xf32, #tpu.memory_space<vmem>>[vector<16xi32>], vector<16xf32>,
      %add3A_232 = arith.addf %scan3A_188, %gather3A_231 : vector<16xf32>
      %get3A_233 = arith.index_cast %scan3A_182 : i32 to index
      %get3A_234 = arith.constant 96 : index
      %get3A_235 = tpu.vector_load %arg6[%get3A_233, %get3A_234] {strides = array<i32>} : memref<100x128xi32, #tpu.memory_space<vmem>>, vector<16xi32>,
      %add3A_236 = vector.broadcast %mul3A_192 : i32 to vector<16xi32>
      %add3A_237 = arith.addi %get3A_235, %add3A_236 : vector<16xi32>
      %gather3A_238 = tpu.vector_load_idx %arg5[%add3A_237] : memref<102400xf32, #tpu.memory_space<vmem>>[vector<16xi32>], vector<16xf32>,
      %add3A_239 = arith.addf %scan3A_189, %gather3A_238 : vector<16xf32>
      %get3A_240 = arith.index_cast %scan3A_182 : i32 to index
      %get3A_241 = arith.constant 112 : index
      %get3A_242 = tpu.vector_load %arg6[%get3A_240, %get3A_241] {strides = array<i32>} : memref<100x128xi32, #tpu.memory_space<vmem>>, vector<16xi32>,
      %add3A_243 = vector.broadcast %mul3A_192 : i32 to vector<16xi32>
      %add3A_244 = arith.addi %get3A_242, %add3A_243 : vector<16xi32>
      %gather3A_245 = tpu.vector_load_idx %arg5[%add3A_244] : memref<102400xf32, #tpu.memory_space<vmem>>[vector<16xi32>], vector<16xf32>,
      %add3A_246 = arith.addf %scan3A_190, %gather3A_245 : vector<16xf32>
      %scan3A_247 = arith.constant 1 : i32
      %scan3A_248 = arith.addi %scan3A_182, %scan3A_247 : i32
      %mul3A_249 = arith.constant 1024 : i32
      %mul3A_250 = arith.muli %scan3A_248, %mul3A_249 : i32
      %get3A_251 = arith.index_cast %scan3A_248 : i32 to index
      %get3A_252 = arith.constant 0 : index
      %get3A_253 = tpu.vector_load %arg6[%get3A_251, %get3A_252] {strides = array<i32>} : memref<100x128xi32, #tpu.memory_space<vmem>>, vector<16xi32>,
      %add3A_254 = vector.broadcast %mul3A_250 : i32 to vector<16xi32>
      %add3A_255 = arith.addi %get3A_253, %add3A_254 : vector<16xi32>
      %gather3A_256 = tpu.vector_load_idx %arg5[%add3A_255] : memref<102400xf32, #tpu.memory_space<vmem>>[vector<16xi32>], vector<16xf32>,
      %add3A_257 = arith.addf %add3A_197, %gather3A_256 : vector<16xf32>
      %get3A_258 = arith.index_cast %scan3A_248 : i32 to index
      %get3A_259 = arith.constant 16 : index
      %get3A_260 = tpu.vector_load %arg6[%get3A_258, %get3A_259] {strides = array<i32>} : memref<100x128xi32, #tpu.memory_space<vmem>>, vector<16xi32>,
      %add3A_261 = vector.broadcast %mul3A_250 : i32 to vector<16xi32>
      %add3A_262 = arith.addi %get3A_260, %add3A_261 : vector<16xi32>
      %gather3A_263 = tpu.vector_load_idx %arg5[%add3A_262] : memref<102400xf32, #tpu.memory_space<vmem>>[vector<16xi32>], vector<16xf32>,
      %add3A_264 = arith.addf %add3A_204, %gather3A_263 : vector<16xf32>
      %get3A_265 = arith.index_cast %scan3A_248 : i32 to index
      %get3A_266 = arith.constant 32 : index
      %get3A_267 = tpu.vector_load %arg6[%get3A_265, %get3A_266] {strides = array<i32>} : memref<100x128xi32, #tpu.memory_space<vmem>>, vector<16xi32>,
      %add3A_268 = vector.broadcast %mul3A_250 : i32 to vector<16xi32>
      %add3A_269 = arith.addi %get3A_267, %add3A_268 : vector<16xi32>
      %gather3A_270 = tpu.vector_load_idx %arg5[%add3A_269] : memref<102400xf32, #tpu.memory_space<vmem>>[vector<16xi32>], vector<16xf32>,
      %add3A_271 = arith.addf %add3A_211, %gather3A_270 : vector<16xf32>
      %get3A_272 = arith.index_cast %scan3A_248 : i32 to index
      %get3A_273 = arith.constant 48 : index
      %get3A_274 = tpu.vector_load %arg6[%get3A_272, %get3A_273] {strides = array<i32>} : memref<100x128xi32, #tpu.memory_space<vmem>>, vector<16xi32>,
      %add3A_275 = vector.broadcast %mul3A_250 : i32 to vector<16xi32>
      %add3A_276 = arith.addi %get3A_274, %add3A_275 : vector<16xi32>
      %gather3A_277 = tpu.vector_load_idx %arg5[%add3A_276] : memref<102400xf32, #tpu.memory_space<vmem>>[vector<16xi32>], vector<16xf32>,
      %add3A_278 = arith.addf %add3A_218, %gather3A_277 : vector<16xf32>
      %get3A_279 = arith.index_cast %scan3A_248 : i32 to index
      %get3A_280 = arith.constant 64 : index
      %get3A_281 = tpu.vector_load %arg6[%get3A_279, %get3A_280] {strides = array<i32>} : memref<100x128xi32, #tpu.memory_space<vmem>>, vector<16xi32>,
      %add3A_282 = vector.broadcast %mul3A_250 : i32 to vector<16xi32>
      %add3A_283 = arith.addi %get3A_281, %add3A_282 : vector<16xi32>
      %gather3A_284 = tpu.vector_load_idx %arg5[%add3A_283] : memref<102400xf32, #tpu.memory_space<vmem>>[vector<16xi32>], vector<16xf32>,
      %add3A_285 = arith.addf %add3A_225, %gather3A_284 : vector<16xf32>
      %get3A_286 = arith.index_cast %scan3A_248 : i32 to index
      %get3A_287 = arith.constant 80 : index
      %get3A_288 = tpu.vector_load %arg6[%get3A_286, %get3A_287] {strides = array<i32>} : memref<100x128xi32, #tpu.memory_space<vmem>>, vector<16xi32>,
      %add3A_289 = vector.broadcast %mul3A_250 : i32 to vector<16xi32>
      %add3A_290 = arith.addi %get3A_288, %add3A_289 : vector<16xi32>
      %gather3A_291 = tpu.vector_load_idx %arg5[%add3A_290] : memref<102400xf32, #tpu.memory_space<vmem>>[vector<16xi32>], vector<16xf32>,
      %add3A_292 = arith.addf %add3A_232, %gather3A_291 : vector<16xf32>
      %get3A_293 = arith.index_cast %scan3A_248 : i32 to index
      %get3A_294 = arith.constant 96 : index
      %get3A_295 = tpu.vector_load %arg6[%get3A_293, %get3A_294] {strides = array<i32>} : memref<100x128xi32, #tpu.memory_space<vmem>>, vector<16xi32>,
      %add3A_296 = vector.broadcast %mul3A_250 : i32 to vector<16xi32>
      %add3A_297 = arith.addi %get3A_295, %add3A_296 : vector<16xi32>
      %gather3A_298 = tpu.vector_load_idx %arg5[%add3A_297] : memref<102400xf32, #tpu.memory_space<vmem>>[vector<16xi32>], vector<16xf32>,
      %add3A_299 = arith.addf %add3A_239, %gather3A_298 : vector<16xf32>
      %get3A_300 = arith.index_cast %scan3A_248 : i32 to index
      %get3A_301 = arith.constant 112 : index
      %get3A_302 = tpu.vector_load %arg6[%get3A_300, %get3A_301] {strides = array<i32>} : memref<100x128xi32, #tpu.memory_space<vmem>>, vector<16xi32>,
      %add3A_303 = vector.broadcast %mul3A_250 : i32 to vector<16xi32>
      %add3A_304 = arith.addi %get3A_302, %add3A_303 : vector<16xi32>
      %gather3A_305 = tpu.vector_load_idx %arg5[%add3A_304] : memref<102400xf32, #tpu.memory_space<vmem>>[vector<16xi32>], vector<16xf32>,
      %add3A_306 = arith.addf %add3A_246, %gather3A_305 : vector<16xf32>
      scf.yield %add3A_257, %add3A_264, %add3A_271, %add3A_278, %add3A_285, %add3A_292, %add3A_299, %add3A_306 : vector<16xf32>, vector<16xf32>, vector<16xf32>, vector<16xf32>, vector<16xf32>, vector<16xf32>, vector<16xf32>, vector<16xf32>
    }
    %scan3A_99 = arith.constant 100 : i32
    %swap3A_100 = arith.constant 256 : index
    %swap3A_101 = tpu.vector_load %arg8[%swap3A_100] {strides = array<i32>} : memref<512xf32, #tpu.memory_space<vmem>>, vector<16xf32>,
    tpu.vector_store %arg8[%swap3A_100], %scan3A_98#0 {strides = array<i32>} : memref<512xf32, #tpu.memory_space<vmem>>, vector<16xf32>,
    %swap3A_102 = arith.constant 272 : index
    %swap3A_103 = tpu.vector_load %arg8[%swap3A_102] {strides = array<i32>} : memref<512xf32, #tpu.memory_space<vmem>>, vector<16xf32>,
    tpu.vector_store %arg8[%swap3A_102], %scan3A_98#1 {strides = array<i32>} : memref<512xf32, #tpu.memory_space<vmem>>, vector<16xf32>,
    %swap3A_104 = arith.constant 288 : index
    %swap3A_105 = tpu.vector_load %arg8[%swap3A_104] {strides = array<i32>} : memref<512xf32, #tpu.memory_space<vmem>>, vector<16xf32>,
    tpu.vector_store %arg8[%swap3A_104], %scan3A_98#2 {strides = array<i32>} : memref<512xf32, #tpu.memory_space<vmem>>, vector<16xf32>,
    %swap3A_106 = arith.constant 304 : index
    %swap3A_107 = tpu.vector_load %arg8[%swap3A_106] {strides = array<i32>} : memref<512xf32, #tpu.memory_space<vmem>>, vector<16xf32>,
    tpu.vector_store %arg8[%swap3A_106], %scan3A_98#3 {strides = array<i32>} : memref<512xf32, #tpu.memory_space<vmem>>, vector<16xf32>,
    %swap3A_108 = arith.constant 320 : index
    %swap3A_109 = tpu.vector_load %arg8[%swap3A_108] {strides = array<i32>} : memref<512xf32, #tpu.memory_space<vmem>>, vector<16xf32>,
    tpu.vector_store %arg8[%swap3A_108], %scan3A_98#4 {strides = array<i32>} : memref<512xf32, #tpu.memory_space<vmem>>, vector<16xf32>,
    %swap3A_110 = arith.constant 336 : index
    %swap3A_111 = tpu.vector_load %arg8[%swap3A_110] {strides = array<i32>} : memref<512xf32, #tpu.memory_space<vmem>>, vector<16xf32>,
    tpu.vector_store %arg8[%swap3A_110], %scan3A_98#5 {strides = array<i32>} : memref<512xf32, #tpu.memory_space<vmem>>, vector<16xf32>,
    %swap3A_112 = arith.constant 352 : index
    %swap3A_113 = tpu.vector_load %arg8[%swap3A_112] {strides = array<i32>} : memref<512xf32, #tpu.memory_space<vmem>>, vector<16xf32>,
    tpu.vector_store %arg8[%swap3A_112], %scan3A_98#6 {strides = array<i32>} : memref<512xf32, #tpu.memory_space<vmem>>, vector<16xf32>,
    %swap3A_114 = arith.constant 368 : index
    %swap3A_115 = tpu.vector_load %arg8[%swap3A_114] {strides = array<i32>} : memref<512xf32, #tpu.memory_space<vmem>>, vector<16xf32>,
    tpu.vector_store %arg8[%swap3A_114], %scan3A_98#7 {strides = array<i32>} : memref<512xf32, #tpu.memory_space<vmem>>, vector<16xf32>,
    %add3A_116 = arith.constant 256 : i32
    %add3A_117 = arith.addi %mul3A_2, %add3A_116 : i32
    %dma_start3A_118 = arith.constant 256 : i32
    %dma_start3A_119 = tpu.memref_slice %arg8[%dma_start3A_118] : memref<512xf32, #tpu.memory_space<vmem>> -> memref<128xf32, #tpu.memory_space<vmem>>
    %dma_start3A_120 = tpu.memref_slice %arg4[%add3A_117] : memref<16384xf32, #tpu.memory_space<hbm>> -> memref<128xf32, #tpu.memory_space<hbm>>
    %dma_start3A_121 = tpu.memref_slice %arg4[%add3A_117] : memref<16384xf32, #tpu.memory_space<hbm>> -> memref<128xf32, #tpu.memory_space<hbm>>
    %dma_start3A_122 = arith.constant 256 : i32
    %dma_start3A_123 = tpu.memref_slice %arg8[%dma_start3A_122] : memref<512xf32, #tpu.memory_space<vmem>> -> memref<128xf32, #tpu.memory_space<vmem>>
    tpu.enqueue_dma source(%dma_start3A_123 : memref<128xf32, #tpu.memory_space<vmem>>) target(%dma_start3A_121 : memref<128xf32, #tpu.memory_space<hbm>>) target_semaphore(%arg12 : memref<!tpu.dma_semaphore, #tpu.memory_space<semaphore_mem>>)
    %dma_wait3A_124 = arith.constant 0 : i32
    %dma_wait3A_125 = tpu.memref_slice %arg2[%dma_wait3A_124, %add3A_61] : memref<100x16384xi32, #tpu.memory_space<hbm>> -> memref<100x128xi32, #tpu.memory_space<hbm>>
    %dma_wait3A_126 = arith.constant 0 : i32
    %dma_wait3A_127 = tpu.memref_slice %arg2[%dma_wait3A_126, %add3A_61] : memref<100x16384xi32, #tpu.memory_space<hbm>> -> memref<100x128xi32, #tpu.memory_space<hbm>>
    tpu.wait_dma2 semaphore(%arg11 : memref<!tpu.dma_semaphore, #tpu.memory_space<semaphore_mem>>) src(%dma_wait3A_127 : memref<100x128xi32, #tpu.memory_space<hbm>>) dst(%arg7 : memref<100x128xi32, #tpu.memory_space<vmem>>)
    %scan3A_128 = arith.constant 0 : i32
    %scan3A_129 = arith.constant 100 : i32
    %scan3A_130 = arith.addi %scan3A_128, %scan3A_129 : i32
    %scan3A_131 = arith.constant 2 : i32
    %scan3A_132:8 = scf.for %scan3A_182 = %scan3A_128 to %scan3A_130 step %scan3A_131 iter_args(%scan3A_183 = %broadcast_in_dim3A_12, %scan3A_184 = %broadcast_in_dim3A_12, %scan3A_185 = %broadcast_in_dim3A_12, %scan3A_186 = %broadcast_in_dim3A_12, %scan3A_187 = %broadcast_in_dim3A_12, %scan3A_188 = %broadcast_in_dim3A_12, %scan3A_189 = %broadcast_in_dim3A_12, %scan3A_190 = %broadcast_in_dim3A_12) -> (vector<16xf32>, vector<16xf32>, vector<16xf32>, vector<16xf32>, vector<16xf32>, vector<16xf32>, vector<16xf32>, vector<16xf32>)  : i32 {
      %mul3A_191 = arith.constant 1024 : i32
      %mul3A_192 = arith.muli %scan3A_182, %mul3A_191 : i32
      %get3A = arith.index_cast %scan3A_182 : i32 to index
      %get3A_193 = arith.constant 0 : index
      %get3A_194 = tpu.vector_load %arg7[%get3A, %get3A_193] {strides = array<i32>} : memref<100x128xi32, #tpu.memory_space<vmem>>, vector<16xi32>,
      %add3A_195 = vector.broadcast %mul3A_192 : i32 to vector<16xi32>
      %add3A_196 = arith.addi %get3A_194, %add3A_195 : vector<16xi32>
      %gather3A = tpu.vector_load_idx %arg5[%add3A_196] : memref<102400xf32, #tpu.memory_space<vmem>>[vector<16xi32>], vector<16xf32>,
      %add3A_197 = arith.addf %scan3A_183, %gather3A : vector<16xf32>
      %get3A_198 = arith.index_cast %scan3A_182 : i32 to index
      %get3A_199 = arith.constant 16 : index
      %get3A_200 = tpu.vector_load %arg7[%get3A_198, %get3A_199] {strides = array<i32>} : memref<100x128xi32, #tpu.memory_space<vmem>>, vector<16xi32>,
      %add3A_201 = vector.broadcast %mul3A_192 : i32 to vector<16xi32>
      %add3A_202 = arith.addi %get3A_200, %add3A_201 : vector<16xi32>
      %gather3A_203 = tpu.vector_load_idx %arg5[%add3A_202] : memref<102400xf32, #tpu.memory_space<vmem>>[vector<16xi32>], vector<16xf32>,
      %add3A_204 = arith.addf %scan3A_184, %gather3A_203 : vector<16xf32>
      %get3A_205 = arith.index_cast %scan3A_182 : i32 to index
      %get3A_206 = arith.constant 32 : index
      %get3A_207 = tpu.vector_load %arg7[%get3A_205, %get3A_206] {strides = array<i32>} : memref<100x128xi32, #tpu.memory_space<vmem>>, vector<16xi32>,
      %add3A_208 = vector.broadcast %mul3A_192 : i32 to vector<16xi32>
      %add3A_209 = arith.addi %get3A_207, %add3A_208 : vector<16xi32>
      %gather3A_210 = tpu.vector_load_idx %arg5[%add3A_209] : memref<102400xf32, #tpu.memory_space<vmem>>[vector<16xi32>], vector<16xf32>,
      %add3A_211 = arith.addf %scan3A_185, %gather3A_210 : vector<16xf32>
      %get3A_212 = arith.index_cast %scan3A_182 : i32 to index
      %get3A_213 = arith.constant 48 : index
      %get3A_214 = tpu.vector_load %arg7[%get3A_212, %get3A_213] {strides = array<i32>} : memref<100x128xi32, #tpu.memory_space<vmem>>, vector<16xi32>,
      %add3A_215 = vector.broadcast %mul3A_192 : i32 to vector<16xi32>
      %add3A_216 = arith.addi %get3A_214, %add3A_215 : vector<16xi32>
      %gather3A_217 = tpu.vector_load_idx %arg5[%add3A_216] : memref<102400xf32, #tpu.memory_space<vmem>>[vector<16xi32>], vector<16xf32>,
      %add3A_218 = arith.addf %scan3A_186, %gather3A_217 : vector<16xf32>
      %get3A_219 = arith.index_cast %scan3A_182 : i32 to index
      %get3A_220 = arith.constant 64 : index
      %get3A_221 = tpu.vector_load %arg7[%get3A_219, %get3A_220] {strides = array<i32>} : memref<100x128xi32, #tpu.memory_space<vmem>>, vector<16xi32>,
      %add3A_222 = vector.broadcast %mul3A_192 : i32 to vector<16xi32>
      %add3A_223 = arith.addi %get3A_221, %add3A_222 : vector<16xi32>
      %gather3A_224 = tpu.vector_load_idx %arg5[%add3A_223] : memref<102400xf32, #tpu.memory_space<vmem>>[vector<16xi32>], vector<16xf32>,
      %add3A_225 = arith.addf %scan3A_187, %gather3A_224 : vector<16xf32>
      %get3A_226 = arith.index_cast %scan3A_182 : i32 to index
      %get3A_227 = arith.constant 80 : index
      %get3A_228 = tpu.vector_load %arg7[%get3A_226, %get3A_227] {strides = array<i32>} : memref<100x128xi32, #tpu.memory_space<vmem>>, vector<16xi32>,
      %add3A_229 = vector.broadcast %mul3A_192 : i32 to vector<16xi32>
      %add3A_230 = arith.addi %get3A_228, %add3A_229 : vector<16xi32>
      %gather3A_231 = tpu.vector_load_idx %arg5[%add3A_230] : memref<102400xf32, #tpu.memory_space<vmem>>[vector<16xi32>], vector<16xf32>,
      %add3A_232 = arith.addf %scan3A_188, %gather3A_231 : vector<16xf32>
      %get3A_233 = arith.index_cast %scan3A_182 : i32 to index
      %get3A_234 = arith.constant 96 : index
      %get3A_235 = tpu.vector_load %arg7[%get3A_233, %get3A_234] {strides = array<i32>} : memref<100x128xi32, #tpu.memory_space<vmem>>, vector<16xi32>,
      %add3A_236 = vector.broadcast %mul3A_192 : i32 to vector<16xi32>
      %add3A_237 = arith.addi %get3A_235, %add3A_236 : vector<16xi32>
      %gather3A_238 = tpu.vector_load_idx %arg5[%add3A_237] : memref<102400xf32, #tpu.memory_space<vmem>>[vector<16xi32>], vector<16xf32>,
      %add3A_239 = arith.addf %scan3A_189, %gather3A_238 : vector<16xf32>
      %get3A_240 = arith.index_cast %scan3A_182 : i32 to index
      %get3A_241 = arith.constant 112 : index
      %get3A_242 = tpu.vector_load %arg7[%get3A_240, %get3A_241] {strides = array<i32>} : memref<100x128xi32, #tpu.memory_space<vmem>>, vector<16xi32>,
      %add3A_243 = vector.broadcast %mul3A_192 : i32 to vector<16xi32>
      %add3A_244 = arith.addi %get3A_242, %add3A_243 : vector<16xi32>
      %gather3A_245 = tpu.vector_load_idx %arg5[%add3A_244] : memref<102400xf32, #tpu.memory_space<vmem>>[vector<16xi32>], vector<16xf32>,
      %add3A_246 = arith.addf %scan3A_190, %gather3A_245 : vector<16xf32>
      %scan3A_247 = arith.constant 1 : i32
      %scan3A_248 = arith.addi %scan3A_182, %scan3A_247 : i32
      %mul3A_249 = arith.constant 1024 : i32
      %mul3A_250 = arith.muli %scan3A_248, %mul3A_249 : i32
      %get3A_251 = arith.index_cast %scan3A_248 : i32 to index
      %get3A_252 = arith.constant 0 : index
      %get3A_253 = tpu.vector_load %arg7[%get3A_251, %get3A_252] {strides = array<i32>} : memref<100x128xi32, #tpu.memory_space<vmem>>, vector<16xi32>,
      %add3A_254 = vector.broadcast %mul3A_250 : i32 to vector<16xi32>
      %add3A_255 = arith.addi %get3A_253, %add3A_254 : vector<16xi32>
      %gather3A_256 = tpu.vector_load_idx %arg5[%add3A_255] : memref<102400xf32, #tpu.memory_space<vmem>>[vector<16xi32>], vector<16xf32>,
      %add3A_257 = arith.addf %add3A_197, %gather3A_256 : vector<16xf32>
      %get3A_258 = arith.index_cast %scan3A_248 : i32 to index
      %get3A_259 = arith.constant 16 : index
      %get3A_260 = tpu.vector_load %arg7[%get3A_258, %get3A_259] {strides = array<i32>} : memref<100x128xi32, #tpu.memory_space<vmem>>, vector<16xi32>,
      %add3A_261 = vector.broadcast %mul3A_250 : i32 to vector<16xi32>
      %add3A_262 = arith.addi %get3A_260, %add3A_261 : vector<16xi32>
      %gather3A_263 = tpu.vector_load_idx %arg5[%add3A_262] : memref<102400xf32, #tpu.memory_space<vmem>>[vector<16xi32>], vector<16xf32>,
      %add3A_264 = arith.addf %add3A_204, %gather3A_263 : vector<16xf32>
      %get3A_265 = arith.index_cast %scan3A_248 : i32 to index
      %get3A_266 = arith.constant 32 : index
      %get3A_267 = tpu.vector_load %arg7[%get3A_265, %get3A_266] {strides = array<i32>} : memref<100x128xi32, #tpu.memory_space<vmem>>, vector<16xi32>,
      %add3A_268 = vector.broadcast %mul3A_250 : i32 to vector<16xi32>
      %add3A_269 = arith.addi %get3A_267, %add3A_268 : vector<16xi32>
      %gather3A_270 = tpu.vector_load_idx %arg5[%add3A_269] : memref<102400xf32, #tpu.memory_space<vmem>>[vector<16xi32>], vector<16xf32>,
      %add3A_271 = arith.addf %add3A_211, %gather3A_270 : vector<16xf32>
      %get3A_272 = arith.index_cast %scan3A_248 : i32 to index
      %get3A_273 = arith.constant 48 : index
      %get3A_274 = tpu.vector_load %arg7[%get3A_272, %get3A_273] {strides = array<i32>} : memref<100x128xi32, #tpu.memory_space<vmem>>, vector<16xi32>,
      %add3A_275 = vector.broadcast %mul3A_250 : i32 to vector<16xi32>
      %add3A_276 = arith.addi %get3A_274, %add3A_275 : vector<16xi32>
      %gather3A_277 = tpu.vector_load_idx %arg5[%add3A_276] : memref<102400xf32, #tpu.memory_space<vmem>>[vector<16xi32>], vector<16xf32>,
      %add3A_278 = arith.addf %add3A_218, %gather3A_277 : vector<16xf32>
      %get3A_279 = arith.index_cast %scan3A_248 : i32 to index
      %get3A_280 = arith.constant 64 : index
      %get3A_281 = tpu.vector_load %arg7[%get3A_279, %get3A_280] {strides = array<i32>} : memref<100x128xi32, #tpu.memory_space<vmem>>, vector<16xi32>,
      %add3A_282 = vector.broadcast %mul3A_250 : i32 to vector<16xi32>
      %add3A_283 = arith.addi %get3A_281, %add3A_282 : vector<16xi32>
      %gather3A_284 = tpu.vector_load_idx %arg5[%add3A_283] : memref<102400xf32, #tpu.memory_space<vmem>>[vector<16xi32>], vector<16xf32>,
      %add3A_285 = arith.addf %add3A_225, %gather3A_284 : vector<16xf32>
      %get3A_286 = arith.index_cast %scan3A_248 : i32 to index
      %get3A_287 = arith.constant 80 : index
      %get3A_288 = tpu.vector_load %arg7[%get3A_286, %get3A_287] {strides = array<i32>} : memref<100x128xi32, #tpu.memory_space<vmem>>, vector<16xi32>,
      %add3A_289 = vector.broadcast %mul3A_250 : i32 to vector<16xi32>
      %add3A_290 = arith.addi %get3A_288, %add3A_289 : vector<16xi32>
      %gather3A_291 = tpu.vector_load_idx %arg5[%add3A_290] : memref<102400xf32, #tpu.memory_space<vmem>>[vector<16xi32>], vector<16xf32>,
      %add3A_292 = arith.addf %add3A_232, %gather3A_291 : vector<16xf32>
      %get3A_293 = arith.index_cast %scan3A_248 : i32 to index
      %get3A_294 = arith.constant 96 : index
      %get3A_295 = tpu.vector_load %arg7[%get3A_293, %get3A_294] {strides = array<i32>} : memref<100x128xi32, #tpu.memory_space<vmem>>, vector<16xi32>,
      %add3A_296 = vector.broadcast %mul3A_250 : i32 to vector<16xi32>
      %add3A_297 = arith.addi %get3A_295, %add3A_296 : vector<16xi32>
      %gather3A_298 = tpu.vector_load_idx %arg5[%add3A_297] : memref<102400xf32, #tpu.memory_space<vmem>>[vector<16xi32>], vector<16xf32>,
      %add3A_299 = arith.addf %add3A_239, %gather3A_298 : vector<16xf32>
      %get3A_300 = arith.index_cast %scan3A_248 : i32 to index
      %get3A_301 = arith.constant 112 : index
      %get3A_302 = tpu.vector_load %arg7[%get3A_300, %get3A_301] {strides = array<i32>} : memref<100x128xi32, #tpu.memory_space<vmem>>, vector<16xi32>,
      %add3A_303 = vector.broadcast %mul3A_250 : i32 to vector<16xi32>
      %add3A_304 = arith.addi %get3A_302, %add3A_303 : vector<16xi32>
      %gather3A_305 = tpu.vector_load_idx %arg5[%add3A_304] : memref<102400xf32, #tpu.memory_space<vmem>>[vector<16xi32>], vector<16xf32>,
      %add3A_306 = arith.addf %add3A_246, %gather3A_305 : vector<16xf32>
      scf.yield %add3A_257, %add3A_264, %add3A_271, %add3A_278, %add3A_285, %add3A_292, %add3A_299, %add3A_306 : vector<16xf32>, vector<16xf32>, vector<16xf32>, vector<16xf32>, vector<16xf32>, vector<16xf32>, vector<16xf32>, vector<16xf32>
    }
    %scan3A_133 = arith.constant 100 : i32
    %swap3A_134 = arith.constant 384 : index
    %swap3A_135 = tpu.vector_load %arg8[%swap3A_134] {strides = array<i32>} : memref<512xf32, #tpu.memory_space<vmem>>, vector<16xf32>,
    tpu.vector_store %arg8[%swap3A_134], %scan3A_132#0 {strides = array<i32>} : memref<512xf32, #tpu.memory_space<vmem>>, vector<16xf32>,
    %swap3A_136 = arith.constant 400 : index
    %swap3A_137 = tpu.vector_load %arg8[%swap3A_136] {strides = array<i32>} : memref<512xf32, #tpu.memory_space<vmem>>, vector<16xf32>,
    tpu.vector_store %arg8[%swap3A_136], %scan3A_132#1 {strides = array<i32>} : memref<512xf32, #tpu.memory_space<vmem>>, vector<16xf32>,
    %swap3A_138 = arith.constant 416 : index
    %swap3A_139 = tpu.vector_load %arg8[%swap3A_138] {strides = array<i32>} : memref<512xf32, #tpu.memory_space<vmem>>, vector<16xf32>,
    tpu.vector_store %arg8[%swap3A_138], %scan3A_132#2 {strides = array<i32>} : memref<512xf32, #tpu.memory_space<vmem>>, vector<16xf32>,
    %swap3A_140 = arith.constant 432 : index
    %swap3A_141 = tpu.vector_load %arg8[%swap3A_140] {strides = array<i32>} : memref<512xf32, #tpu.memory_space<vmem>>, vector<16xf32>,
    tpu.vector_store %arg8[%swap3A_140], %scan3A_132#3 {strides = array<i32>} : memref<512xf32, #tpu.memory_space<vmem>>, vector<16xf32>,
    %swap3A_142 = arith.constant 448 : index
    %swap3A_143 = tpu.vector_load %arg8[%swap3A_142] {strides = array<i32>} : memref<512xf32, #tpu.memory_space<vmem>>, vector<16xf32>,
    tpu.vector_store %arg8[%swap3A_142], %scan3A_132#4 {strides = array<i32>} : memref<512xf32, #tpu.memory_space<vmem>>, vector<16xf32>,
    %swap3A_144 = arith.constant 464 : index
    %swap3A_145 = tpu.vector_load %arg8[%swap3A_144] {strides = array<i32>} : memref<512xf32, #tpu.memory_space<vmem>>, vector<16xf32>,
    tpu.vector_store %arg8[%swap3A_144], %scan3A_132#5 {strides = array<i32>} : memref<512xf32, #tpu.memory_space<vmem>>, vector<16xf32>,
    %swap3A_146 = arith.constant 480 : index
    %swap3A_147 = tpu.vector_load %arg8[%swap3A_146] {strides = array<i32>} : memref<512xf32, #tpu.memory_space<vmem>>, vector<16xf32>,
    tpu.vector_store %arg8[%swap3A_146], %scan3A_132#6 {strides = array<i32>} : memref<512xf32, #tpu.memory_space<vmem>>, vector<16xf32>,
    %swap3A_148 = arith.constant 496 : index
    %swap3A_149 = tpu.vector_load %arg8[%swap3A_148] {strides = array<i32>} : memref<512xf32, #tpu.memory_space<vmem>>, vector<16xf32>,
    tpu.vector_store %arg8[%swap3A_148], %scan3A_132#7 {strides = array<i32>} : memref<512xf32, #tpu.memory_space<vmem>>, vector<16xf32>,
    %add3A_150 = arith.constant 384 : i32
    %add3A_151 = arith.addi %mul3A_2, %add3A_150 : i32
    %dma_start3A_152 = arith.constant 384 : i32
    %dma_start3A_153 = tpu.memref_slice %arg8[%dma_start3A_152] : memref<512xf32, #tpu.memory_space<vmem>> -> memref<128xf32, #tpu.memory_space<vmem>>
    %dma_start3A_154 = tpu.memref_slice %arg4[%add3A_151] : memref<16384xf32, #tpu.memory_space<hbm>> -> memref<128xf32, #tpu.memory_space<hbm>>
    %dma_start3A_155 = tpu.memref_slice %arg4[%add3A_151] : memref<16384xf32, #tpu.memory_space<hbm>> -> memref<128xf32, #tpu.memory_space<hbm>>
    %dma_start3A_156 = arith.constant 384 : i32
    %dma_start3A_157 = tpu.memref_slice %arg8[%dma_start3A_156] : memref<512xf32, #tpu.memory_space<vmem>> -> memref<128xf32, #tpu.memory_space<vmem>>
    tpu.enqueue_dma source(%dma_start3A_157 : memref<128xf32, #tpu.memory_space<vmem>>) target(%dma_start3A_155 : memref<128xf32, #tpu.memory_space<hbm>>) target_semaphore(%arg12 : memref<!tpu.dma_semaphore, #tpu.memory_space<semaphore_mem>>)
    %dma_wait3A_158 = arith.constant 0 : i32
    %dma_wait3A_159 = tpu.memref_slice %arg8[%dma_wait3A_158] : memref<512xf32, #tpu.memory_space<vmem>> -> memref<128xf32, #tpu.memory_space<vmem>>
    %dma_wait3A_160 = tpu.memref_slice %arg4[%add3A_43] : memref<16384xf32, #tpu.memory_space<hbm>> -> memref<128xf32, #tpu.memory_space<hbm>>
    %dma_wait3A_161 = tpu.memref_slice %arg4[%add3A_43] : memref<16384xf32, #tpu.memory_space<hbm>> -> memref<128xf32, #tpu.memory_space<hbm>>
    %dma_wait3A_162 = arith.constant 0 : i32
    %dma_wait3A_163 = tpu.memref_slice %arg8[%dma_wait3A_162] : memref<512xf32, #tpu.memory_space<vmem>> -> memref<128xf32, #tpu.memory_space<vmem>>
    tpu.wait_dma2 semaphore(%arg12 : memref<!tpu.dma_semaphore, #tpu.memory_space<semaphore_mem>>) src(%dma_wait3A_163 : memref<128xf32, #tpu.memory_space<vmem>>) dst(%dma_wait3A_161 : memref<128xf32, #tpu.memory_space<hbm>>)
    %dma_wait3A_164 = arith.constant 128 : i32
    %dma_wait3A_165 = tpu.memref_slice %arg8[%dma_wait3A_164] : memref<512xf32, #tpu.memory_space<vmem>> -> memref<128xf32, #tpu.memory_space<vmem>>
    %dma_wait3A_166 = tpu.memref_slice %arg4[%add3A_83] : memref<16384xf32, #tpu.memory_space<hbm>> -> memref<128xf32, #tpu.memory_space<hbm>>
    %dma_wait3A_167 = tpu.memref_slice %arg4[%add3A_83] : memref<16384xf32, #tpu.memory_space<hbm>> -> memref<128xf32, #tpu.memory_space<hbm>>
    %dma_wait3A_168 = arith.constant 128 : i32
    %dma_wait3A_169 = tpu.memref_slice %arg8[%dma_wait3A_168] : memref<512xf32, #tpu.memory_space<vmem>> -> memref<128xf32, #tpu.memory_space<vmem>>
    tpu.wait_dma2 semaphore(%arg12 : memref<!tpu.dma_semaphore, #tpu.memory_space<semaphore_mem>>) src(%dma_wait3A_169 : memref<128xf32, #tpu.memory_space<vmem>>) dst(%dma_wait3A_167 : memref<128xf32, #tpu.memory_space<hbm>>)
    %dma_wait3A_170 = arith.constant 256 : i32
    %dma_wait3A_171 = tpu.memref_slice %arg8[%dma_wait3A_170] : memref<512xf32, #tpu.memory_space<vmem>> -> memref<128xf32, #tpu.memory_space<vmem>>
    %dma_wait3A_172 = tpu.memref_slice %arg4[%add3A_117] : memref<16384xf32, #tpu.memory_space<hbm>> -> memref<128xf32, #tpu.memory_space<hbm>>
    %dma_wait3A_173 = tpu.memref_slice %arg4[%add3A_117] : memref<16384xf32, #tpu.memory_space<hbm>> -> memref<128xf32, #tpu.memory_space<hbm>>
    %dma_wait3A_174 = arith.constant 256 : i32
    %dma_wait3A_175 = tpu.memref_slice %arg8[%dma_wait3A_174] : memref<512xf32, #tpu.memory_space<vmem>> -> memref<128xf32, #tpu.memory_space<vmem>>
    tpu.wait_dma2 semaphore(%arg12 : memref<!tpu.dma_semaphore, #tpu.memory_space<semaphore_mem>>) src(%dma_wait3A_175 : memref<128xf32, #tpu.memory_space<vmem>>) dst(%dma_wait3A_173 : memref<128xf32, #tpu.memory_space<hbm>>)
    %dma_wait3A_176 = arith.constant 384 : i32
    %dma_wait3A_177 = tpu.memref_slice %arg8[%dma_wait3A_176] : memref<512xf32, #tpu.memory_space<vmem>> -> memref<128xf32, #tpu.memory_space<vmem>>
    %dma_wait3A_178 = tpu.memref_slice %arg4[%add3A_151] : memref<16384xf32, #tpu.memory_space<hbm>> -> memref<128xf32, #tpu.memory_space<hbm>>
    %dma_wait3A_179 = tpu.memref_slice %arg4[%add3A_151] : memref<16384xf32, #tpu.memory_space<hbm>> -> memref<128xf32, #tpu.memory_space<hbm>>
    %dma_wait3A_180 = arith.constant 384 : i32
    %dma_wait3A_181 = tpu.memref_slice %arg8[%dma_wait3A_180] : memref<512xf32, #tpu.memory_space<vmem>> -> memref<128xf32, #tpu.memory_space<vmem>>
    tpu.wait_dma2 semaphore(%arg12 : memref<!tpu.dma_semaphore, #tpu.memory_space<semaphore_mem>>) src(%dma_wait3A_181 : memref<128xf32, #tpu.memory_space<vmem>>) dst(%dma_wait3A_179 : memref<128xf32, #tpu.memory_space<hbm>>)
    return
  }
}

module attributes {stable_mosaic.version = 14 : i64} {
  func.func @_prep_body(%arg0: memref<100x1000xf32, #tpu.memory_space<vmem>>, %arg1: memref<800x128xf32, #tpu.memory_space<vmem>>) attributes {dimension_semantics = [], scalar_prefetch = 0 : i64, scratch_operands = 0 : i64, tpu.core_type = #tpu.core_type<tc>} {
    %get3A = arith.constant 0 : index
    %get3A_0 = arith.constant 0 : index
    %get3A_1 = vector.load %arg0[%get3A, %get3A_0] : memref<100x1000xf32, #tpu.memory_space<vmem>>, vector<100x1000xf32>
    %reduce_max3A = arith.constant dense<0xFF800000> : vector<100xf32>
    %reduce_max3A_2 = vector.multi_reduction <maximumf>, %get3A_1, %reduce_max3A [1] : vector<100x1000xf32> to vector<100xf32>
    %broadcast_in_dim3A = vector.shape_cast %reduce_max3A_2 : vector<100xf32> to vector<100x1xf32>
    %sub3A = vector.broadcast %broadcast_in_dim3A : vector<100x1xf32> to vector<100x1000xf32>
    %sub3A_3 = arith.subf %get3A_1, %sub3A : vector<100x1000xf32>
    %exp3A = math.exp %sub3A_3 : vector<100x1000xf32>
    %reduce_sum3A = arith.constant dense<0.000000e+00> : vector<100xf32>
    %reduce_sum3A_4 = vector.multi_reduction <add>, %exp3A, %reduce_sum3A [1] : vector<100x1000xf32> to vector<100xf32>
    %broadcast_in_dim3A_5 = vector.shape_cast %reduce_sum3A_4 : vector<100xf32> to vector<100x1xf32>
    %log3A = math.log %broadcast_in_dim3A_5 : vector<100x1xf32>
    %add3A = arith.addf %log3A, %broadcast_in_dim3A : vector<100x1xf32>
    %sub3A_6 = vector.broadcast %add3A : vector<100x1xf32> to vector<100x1000xf32>
    %sub3A_7 = arith.subf %get3A_1, %sub3A_6 : vector<100x1000xf32>
    %mul3A = arith.constant 0.00999999977 : f32
    %mul3A_8 = vector.broadcast %mul3A : f32 to vector<100x1000xf32>
    %mul3A_9 = arith.mulf %sub3A_7, %mul3A_8 : vector<100x1000xf32>
    %broadcast_in_dim3A_10 = arith.constant 0.000000e+00 : f32
    %broadcast_in_dim3A_11 = vector.broadcast %broadcast_in_dim3A_10 : f32 to vector<100x24xf32>
    %concatenate3A = tpu.concatenate %mul3A_9, %broadcast_in_dim3A_11 in 1 : vector<100x1000xf32>, vector<100x24xf32> -> vector<100x1024xf32>
    %reshape3A = vector.shape_cast %concatenate3A : vector<100x1024xf32> to vector<800x128xf32>
    %swap3A = arith.constant 0 : index
    %swap3A_12 = arith.constant 0 : index
    %swap3A_13 = vector.load %arg1[%swap3A, %swap3A_12] : memref<800x128xf32, #tpu.memory_space<vmem>>, vector<800x128xf32>
    tpu.vector_store %arg1[%swap3A, %swap3A_12], %reshape3A {strides = array<i32>} : memref<800x128xf32, #tpu.memory_space<vmem>>, vector<800x128xf32>,
    return
  }
}

</mosaic_0001>

<sc_bundles>
// kernel: kernel.4.cloned.1.call-start
scs
__scs_entry_jumppad:
0x0: {  	(pc) =	sbr.rel $0x88, $3  }
0x1: {  	(tag) =	ssettag $0x0;
	lr =	simm.s32 $0x1  }
0x2: {  	[smem:$0x3F9F] =	sst lr;
	_ =	strace $0xD0000000  }
0x3: {  	_ = 	snop  }
0x4: {  	_ = 	snop  }
0x5: {  	_ = 	snop  }
0x6: {  	_ = 	snop  }
0x7: {  	_ = 	snop  }
__scs_overlays_trampoline_lowered:
0x8: {  	[smem:$0x3FAE] =	sst s0  }
0x9: {  	[smem:$0x3FAF] =	sst s1  }
0xa: {  	[smem:$0x3FB0] =	sst s2  }
0xb: {  	[smem:$0x3FB1] =	sst s3  }
0xc: {  	[smem:$0x3FB2] =	sst s4  }
0xd: {  	[smem:$0x3FB3] =	sst s5  }
0xe: {  	[smem:$0x3FB4] =	sst s6  }
0xf: {  	[smem:$0x3FB5] =	sst s7  }
0x10: {  	[smem:$0x3FB6] =	sst s8  }
0x11: {  	[smem:$0x3FB7] =	sst s9;
	s0 =	simm.s32 @!p0 $0x0  }
0x12: {  	s1 =	sld [smem:$0x3F9D];
	s0 =	simm.s32 @p0 $0x1  }
0x13: {  	[smem:$0x3FB8] =	sst s0;
	s0 =	simm.s32 @!p1 $0x0  }
0x14: {  	s2 =	sld [smem:$0x3F9C];
	s0 =	simm.s32 @p1 $0x1  }
0x15: {  	[smem:$0x3FB9] =	sst s0;
	s0 =	simm.s32 @!p2 $0x0  }
0x16: {  	s3 =	sld [smem:$0x3FDB];
	s0 =	simm.s32 @p2 $0x1  }
0x17: {  	s4 =	simm.s32 $0x1BF5;
	[smem:$0x3FBB] =	sst s0  }
0x18: {  	s0 =	sld [smem:$0x3F9E];
	_ =	swait.ge [sflag:s4], $0x0  }
0x19: {  	s7 =	sld [smem:$0x3F9F]  }
0x1a: {  	s8 =	sadd.s32 $0xFFFFE003, lr  }
0x1b: {  	s9 =	sadd.s32 $0xFFFFFEF7, lr;
	s5 =	simm.s32 $0xFFFFFFFF;
	p2 =	slt.u32 s8, $0xFFFFF086  }
0x1c: {  	p1 =	slt.u32 s9, $0xF7A;
	s5 =	simm.s32 @!p2 $0x0  }
0x1d: {  	s5 =	simm.s32 @p1 $0x1;
	p0 =	seq.s32 s7, s2  }
0x1e: {  	s7 =	smul.u32 @!p0 $0xF7A, s2;
	p2 =	seq.s32 @!p0 s5, $0x0  }
0x1f: {  	s9 =	smul.u32 $0xF7A, s1;
	s8 =	simm.s32 @!p0 $0x1BF5;
	p2 =	por !p2, p0  }
0x20: {  	[sflag:s8] =	ssyncset.s32 @!p0 $0xFFFFF086;
	s6 =	sadd.s32 @!p0 s3, s7;
	s7 =	simm.s32 @!p0 $0x108  }
0x21: {  	s3 =	sadd.s32 s3, s9;
	s6 =	sadd.s32 @!p0 $0x88, s6;
	s7 =	simm.s32 @p2 $0x1082  }
0x22: {  	[simem:s7], [sflag:s8] =	dma.local @!p0 [hbm:s6], $0xF7A  }
0x23: {  	s9 =	sor.u32 $0xD0000000, s2;
	s6 =	simm.s32 $0x108;
	_ =	swait.ge @!p0 [sflag:s8], $0x0  }
0x24: {  	s3 =	sadd.s32 $0x88, s3;
	s6 =	simm.s32 @!p1 $0x1082;
	[sflag:s4] =	ssyncset.s32 $0xFFFFF086  }
0x25: {  	[simem:s6], [sflag:s4] =	dma.local [hbm:s3], $0xF7A  }
0x26: {  	[smem:$0x3F9F] =	sst s1;
	(tag) =	ssettag s2;
	_ =	strace s9  }
0x27: {  	s1 =	sld [smem:$0x3FAF]  }
0x28: {  	s2 =	sld [smem:$0x3FB0]  }
0x29: {  	s4 =	sld [smem:$0x3FB2]  }
0x2a: {  	p0 =	seq.s32 s5, $0x0;
	s5 =	sld [smem:$0x3FB3]  }
0x2b: {  	s6 =	sld [smem:$0x3FB4]  }
0x2c: {  	s7 =	sld [smem:$0x3FB5]  }
0x2d: {  	s3 =	simm.s32 $0x108;
	s8 =	sld [smem:$0x3FB6]  }
0x2e: {  	s3 =	simm.s32 @!p0 $0x1082;
	s9 =	sld [smem:$0x3FB7]  }
0x2f: {  	lr =	sadd.s32 s0, s3;
	s0 =	sld [smem:$0x3FAE]  }
0x30: {  	s3 =	sld [smem:$0x3FB1]  }
0x31: {  	[smem:$0x3FBA] =	sst s10  }
0x32: {  	s10 =	sld [smem:$0x3FB8];
	_ =	sdelay $0x3  }
0x33: {  	p0 =	seq.s32 s10, $0x1;
	s10 =	sld [smem:$0x3FBA];
	_ =	sdelay $0x3  }
0x34: {  	[smem:$0x3FBA] =	sst s10  }
0x35: {  	s10 =	sld [smem:$0x3FB9];
	_ =	sdelay $0x3  }
0x36: {  	p1 =	seq.s32 s10, $0x1;
	s10 =	sld [smem:$0x3FBA];
	_ =	sdelay $0x3  }
0x37: {  	[smem:$0x3FBA] =	sst s10  }
0x38: {  	s10 =	sld [smem:$0x3FBB]  }
0x39: {  	_ = 	snop;
	(pc) =	sbr.ind lr, $3  }
0x3a: {  	_ = 	snop  }
0x3b: {  	_ = 	snop  }
0x3c: {  	p2 =	seq.s32 s10, $0x1;
	s10 =	sld [smem:$0x3FBA]  }
0x3d: {  	_ =	shalt  }
0x3e: {  	_ =	shalt  }
0x3f: {  	_ =	shalt  }
0x40: {  	_ =	shalt  }
0x41: {  	_ =	shalt  }
0x42: {  	_ =	shalt  }
0x43: {  	_ =	shalt  }
0x44: {  	_ =	shalt  }
0x45: {  	_ =	shalt  }
0x46: {  	_ =	shalt  }
0x47: {  	_ =	shalt  }
0x48: {  	_ =	shalt  }
0x49: {  	_ =	shalt  }
0x4a: {  	_ =	shalt  }
0x4b: {  	_ =	shalt  }
0x4c: {  	_ =	shalt  }
0x4d: {  	_ =	shalt  }
0x4e: {  	_ =	shalt  }
0x4f: {  	_ =	shalt  }
0x50: {  	_ =	shalt  }
0x51: {  	_ =	shalt  }
0x52: {  	_ =	shalt  }
0x53: {  	_ =	shalt  }
0x54: {  	_ =	shalt  }
0x55: {  	_ =	shalt  }
0x56: {  	_ =	shalt  }
0x57: {  	_ =	shalt  }
0x58: {  	_ =	shalt  }
0x59: {  	_ =	shalt  }
0x5a: {  	_ =	shalt  }
0x5b: {  	_ =	shalt  }
0x5c: {  	_ =	shalt  }
0x5d: {  	_ =	shalt  }
0x5e: {  	_ =	shalt  }
0x5f: {  	_ =	shalt  }
0x60: {  	_ =	shalt  }
0x61: {  	_ =	shalt  }
0x62: {  	_ =	shalt  }
0x63: {  	_ =	shalt  }
0x64: {  	_ =	shalt  }
0x65: {  	_ =	shalt  }
0x66: {  	_ =	shalt  }
0x67: {  	_ =	shalt  }
0x68: {  	_ =	shalt  }
0x69: {  	_ =	shalt  }
0x6a: {  	_ =	shalt  }
0x6b: {  	_ =	shalt  }
0x6c: {  	_ =	shalt  }
0x6d: {  	_ =	shalt  }
0x6e: {  	_ =	shalt  }
0x6f: {  	_ =	shalt  }
0x70: {  	_ =	shalt  }
0x71: {  	_ =	shalt  }
0x72: {  	_ =	shalt  }
0x73: {  	_ =	shalt  }
0x74: {  	_ =	shalt  }
0x75: {  	_ =	shalt  }
0x76: {  	_ =	shalt  }
0x77: {  	_ =	shalt  }
0x78: {  	_ =	shalt  }
0x79: {  	_ =	shalt  }
0x7a: {  	_ =	shalt  }
0x7b: {  	_ =	shalt  }
0x7c: {  	_ =	shalt  }
0x7d: {  	_ =	shalt  }
0x7e: {  	_ =	shalt  }
0x7f: {  	_ =	shalt  }
0x80: {  	_ =	shalt  }
0x81: {  	_ =	shalt  }
0x82: {  	_ =	shalt  }
0x83: {  	_ =	shalt  }
0x84: {  	_ =	shalt  }
0x85: {  	_ =	shalt  }
0x86: {  	_ =	shalt  }
0x87: {  	_ =	shalt  }
.Lfunc_end0:
.L_simem_size_0:
called_computation_lowered:
.L_overlay_start_0:
0x88: {  	s2 =	sld [smem:$0x3FD9]  }
0x89: {  	s3 =	sld [smem:$0x3FFE];
	_ =	sdelay $0x1  }
0x8a: {  	s1 =	srdreg.scid  }
0x8b: {  	s0 =	sand.u32 $0x1, s1  }
0x8c: {  	s17 =	sshll.u32 s0, $0xA;
	s2 =	sadd.s32 s3, s2  }
0x8d: {  	s2 =	sadd.s32 s2, s17  }
0x8e: {  	[smem:$0x3FC6] =	sst s2  }
0x8f: {  	_ = 	snop  }
0x90: {  	s2 =	sld [smem:$0x3FC9]  }
0x91: {  	s18 =	sld [smem:$0x3FD0];
	(tm) =	ssettm $0x1  }
0x92: {  	s4 =	sld [smem:$0x3FFB];
	_ =	sdelay $0x3  }
0x93: {  	_ =	strace s4  }
0x94: {  	s4 =	sld [smem:$0x3FFC];
	_ =	sdelay $0x3  }
0x95: {  	_ =	strace s4  }
0x96: {  	s4 =	sld [smem:$0x3FFD];
	_ =	sdelay $0x3  }
0x97: {  	_ =	strace s4  }
0x98: {  	_ =	strace $0x8FFFFFFF  }
0x99: {  	s19 =	sld [smem:$0x3FDB];
	_ =	sdelay $0x1  }
0x9a: {  	s5 =	simm.s32 $_scs_section_size  }
0x9b: {  	s6 =	simm.s32 $_size__tile_overlayer_lowered;
	s7 =	simm.s32 $_tile_overlayer_lowered  }
0x9c: {  	s22 =	simm.s32 $0x1BFF;
	s21 =	sshll.u32 s7, $0x1;
	s4 =	sadd.s32 s5, s19  }
0x9d: {  	s8 =	simm.s32 $0x0;
	s20 =	sshll.u32 s6, $0x1;
	s6 =	sadd.s32 s21, s4  }
0x9e: {  	[timem:s8], [sflag:s22] =	dma.local [hbm:s6], s20  }
0x9f: {  	_ =	swait.ge [sflag:s22], s20  }
0xa0: {  	s5 =	ssub.s32 $0x0, s20;
	[sflag:s22] =	ssyncset.done $0x0  }
0xa1: {  	[sflag:s22] =	ssyncadd.s32 s5;
	_ =	sdelay $0x1  }
0xa2: {  	s23 =	simm.s32 $0x1B8B  }
0xa3: {  	_ =	swait.ge [sflag:s23], $0x1  }
0xa4: {  	[sflag:s23] =	ssyncset.done $0x0  }
0xa5: {  	s25 =	simm.s32 $0x1B8E;
	s24 =	sld [smem:$0x3FFE];
	[sflag:s23] =	ssyncadd.s32 $0xFFFFFFFF  }
0xa6: {  	s26 =	simm.s32 $execute0_lowered;
	[smem:$0x3FD2] =	sst s25  }
0xa7: {  	s6 =	sshll.u32 s26, $0x1;
	_ =	strace $0x80000046;
	[dreg:$0x1] =	wrdreg $0xFFFFFFFF  }
0xa8: {  	s28 =	simm.s32 $_size_execute0_lowered;
	s4 =	sadd.s32 s4, s6;
	[dreg:$0x0] =	wrdreg $0x0  }
0xa9: {  	s6 =	sshll.u32 s28, $0x1;
	[dreg:$0x2] =	wrdreg s4  }
0xaa: {  	[dreg:$0x3] =	wrdreg s6  }
0xab: {  	[dreg:$0x4] =	wrdreg $0xC0  }
0xac: {  	_ =	task [dreg:s8], $0x5FFFF  }
0xad: {  	[dreg:$0x1] =	wrdreg $0xFFFFFFFF  }
0xae: {  	[dreg:$0x0] =	wrdreg $0x60  }
0xaf: {  	[dreg:$0x2] =	wrdreg s2  }
0xb0: {  	[dreg:$0x3] =	wrdreg s24  }
0xb1: {  	[dreg:$0x4] =	wrdreg s18  }
0xb2: {  	[dreg:$0x5] =	wrdreg $0x9  }
0xb3: {  	_ =	task.clear_ibuf [dreg:s8], $0x6FFFF;
	_ =	strace $0x90000046  }
0xb4: {  	s29 =	simm.s32 $0x9;
	_ =	strace $0x80000048  }
0xb5: {  	_ =	swait.ge [sflag:s29], $0x1  }
0xb6: {  	[sflag:s29] =	ssyncadd.s32 $0xFFFFFFFF  }
0xb7: {  	_ =	strace $0x90000048  }
0xb8: {  	_ =	sfence  }
0xb9: {  	s30 =	sld [smem:$0x0];
	_ =	sdelay $0x2  }
0xba: {  	s31 =	sshll.u32 s1, $0xD;
	s1 =	sshrl.u32 s1, $0x2  }
0xbb: {  	s3 =	sand.u32 $0x4000, s31;
	s1 =	sadd.s32 s1, s30  }
0xbc: {  	s0 =	sor.u32 s3, s0;
	s1 =	sshll.u32 s1, $0x11  }
0xbd: {  	s0 =	sor.u32 s1, s0  }
0xbe: {  	s0 =	sadd.s32 $0x8F2B, s0  }
0xbf: {  	[sflag:s0] =	ssyncadd.remote.s32 $0x1  }
0xc0: {  	_ =	sfence.sel $0xFFFF  }
0xc1: {  	[dreg:$0x0] =	wrdreg $0xFFFFFFFF;
	(pc) =	sbr.abs _section_cstart, $3  }
0xc2: {  	[dreg:$0x1] =	wrdreg $0xFFFFFFFF  }
0xc3: {  	_ =	task.clear_ibuf [dreg:s8], $0x2FFFF;
	_ =	strace $0x9FFFFFFF  }
0xc4: {  	(tm) =	ssettm $0x7FFFFFFF  }
0xc5: {  	_ =	shalt  }
tec
execute0_lowered:
.L_overlay_start_1:
0x0: {  	(tag) =	ssettag $0x1  }
0x1: {  	s0 =	rddreg [dreg:$0x0]  }
0x2: {  	s1 =	rddreg [dreg:$0x1]  }
0x3: {  	s13 =	rddreg [dreg:$0x2];
	s2 =	srdreg.scid  }
0x4: {  	s4 =	stileid.u32;
	s15 =	simm.s32 $0x400;
	s16 =	simm.s32 $0x20000  }
0x5: {  	s17 =	simm.s32 $0x19000;
	s18 =	simm.s32 $0x1C000;
	s19 =	simm.s32 $0x1C400  }
0x6: {  	s20 =	simm.s32 $0x1F400;
	s21 =	simm.s32 $0x1;
	s22 =	simm.s32 $0x2  }
0x7: {  	s28 =	simm.s32 $0x1F980;
	s29 =	simm.s32 $0x4;
	s30 =	simm.s32 $0x0  }
0x8: {  	s3 =	sand.u32 $0x1, s2;
	s2 =	simm.s32 $0x0;
	s4 =	sshll.u32 s4, $0xA  }
0x9: {  	s5 =	sshll.u32 s3, $0x9;
	[smem:$0x7FF] =	sst s2;
	s23 =	ssub.s32 $0x2, s3  }
0xa: {  	s3 =	sadd.s32 $0x800, s1;
	s9 =	sor.u32 s5, s4;
	s24 =	sshrl.u32 s23, $0x1  }
0xb: {  	_ =	strace $0x80000047;
	s8 =	sshrl.u32 s9, $0x7;
	s1 =	ssub.s32 s23, s24  }
0xc: {  	s4 =	sadd.s32 s0, s9;
	s9 =	sshrl.u32 s9, $0x3;
	s24 =	simm.s32 $0x3  }
0xd: {  	s11 =	sor.u32 $0x1, s8;
	s5 =	sadd.s32 $0x30000, s4;
	s12 =	sor.u32 $0x2, s8  }
0xe: {  	s14 =	sor.u32 $0x3, s8;
	s9 =	sadd.s32 s13, s9;
	s6 =	sshll.u32 s11, $0x7  }
0xf: {  	s10 =	sshll.u32 s12, $0x7;
	s25 =	sshll.u32 s14, $0x7;
	s26 =	sshll.u32 s11, $0x4  }
0x10: {  	s31 =	sshll.u32 s12, $0x4;
	s14 =	sshll.u32 s14, $0x4;
	s6 =	sadd.s32 s0, s6  }
0x11: {  	s8 =	sadd.s32 s0, s10;
	s10 =	sadd.s32 s0, s25;
	s11 =	sadd.s32 s13, s26  }
0x12: {  	s12 =	sadd.s32 s13, s31;
	s13 =	sadd.s32 s13, s14;
	s14 =	smax.u32 s1, $0x1  }
0x13: {  	s25 =	simm.s32 $0x1F880;
	s26 =	simm.s32 $0x1F900;
	s7 =	sadd.s32 $0x30000, s6  }
.LBB2_1:
0x14: {  	[tilespmem:s2], [sflag:$0x1] =	stream.linear.gather [hbm4b:s3+s2], $0x19000, $0x38;
	[tilespmem:$0x1FA00] =	vst v63  }
0x15: {  	_ = 	snop  }
0x16: {  	[tilespmem:s17], [sflag:$0x2] =	stream.strided.gather [hbm4b:s4+s15], $0x3000, s16, s15, $0x38;
	[tilespmem:$0x1FA00] =	vst v63  }
0x17: {  	_ = 	snop  }
0x18: {  	[tilespmem:s18], [sflag:$0x2] =	stream.linear.gather [hbm4b:s5+s2], $0x200, $0x38;
	[tilespmem:$0x1FA00] =	vst v63  }
0x19: {  	_ = 	snop  }
0x1a: {  	[tilespmem:s19], [sflag:$0x3] =	stream.strided.gather [hbm4b:s6+s15], $0x3000, s16, s15, $0x38;
	[tilespmem:$0x1FA00] =	vst v63  }
0x1b: {  	_ = 	snop  }
0x1c: {  	[tilespmem:s20], [sflag:$0x3] =	stream.linear.gather [hbm4b:s7+s2], $0x200, $0x38;
	[tilespmem:$0x1FA00] =	vst v63  }
0x1d: {  	_ =	swait.ge [sflag:s21], $0x19000  }
0x1e: {  	[sflag:s21] =	ssyncset.done $0x0  }
0x1f: {  	[sflag:s21] =	ssyncadd.s32 $0xFFFE7000  }
0x20: {  	_ =	swait.ge [sflag:s22], $0x3200  }
0x21: {  	[sflag:s22] =	ssyncset.done $0x0  }
0x22: {  	s0 =	simm.s32 $0x19080;
	[sflag:s22] =	ssyncadd.s32 $0xFFFFCE00  }
0x23: {  	v0 =	vld [tilespmem:s0+$0x0]  }
0x24: {  	v1 =	vld [tilespmem:s0+$0x10]  }
0x25: {  	v2 =	vld [tilespmem:s0+$0x20]  }
0x26: {  	v3 =	vld [tilespmem:s0+$0x30]  }
0x27: {  	v4 =	vld [tilespmem:s0+$0x40]  }
0x28: {  	v5 =	vld [tilespmem:s0+$0x50]  }
0x29: {  	v10 =	vld [tilespmem:s0+$0x60]  }
0x2a: {  	v11 =	vld [tilespmem:s0+$0x70]  }
0x2b: {  	v7 =	vld [tilespmem:s0+$0xFFFFFF80]  }
0x2c: {  	v8 =	vld [tilespmem:s0+$0xFFFFFF90]  }
0x2d: {  	s1 =	simm.s32 $0x400;
	v9 =	vld [tilespmem:s0+$0xFFFFFFA0]  }
0x2e: {  	v12 =	vld [tilespmem:s0+$0xFFFFFFB0];
	v0 =	vadd.s32 s1, v0  }
0x2f: {  	v13 =	vld [tilespmem:s0+$0xFFFFFFC0];
	v1 =	vadd.s32 s1, v1  }
0x30: {  	v14 =	vld [tilespmem:s0+$0xFFFFFFD0];
	v2 =	vadd.s32 s1, v2  }
0x31: {  	v15 =	vld [tilespmem:s0+$0xFFFFFFE0];
	v3 =	vadd.s32 s1, v3  }
0x32: {  	v16 =	vld [tilespmem:s0+$0xFFFFFFF0];
	v4 =	vadd.s32 s1, v4  }
0x33: {  	v17 =	vadd.s32 s2, v7;
	v6 =	vld.idx.msk [tilespmem:v0+s2+$0x0], $0xffff  }
0x34: {  	v0 =	vadd.s32 s1, v5;
	v7 =	vld.idx.msk [tilespmem:v1+s2+$0x0], $0xffff  }
0x35: {  	v1 =	vadd.s32 s2, v8;
	v8 =	vld.idx.msk [tilespmem:v2+s2+$0x0], $0xffff  }
0x36: {  	v2 =	vadd.s32 s2, v9;
	v9 =	vld.idx.msk [tilespmem:v3+s2+$0x0], $0xffff  }
0x37: {  	v3 =	vadd.s32 s2, v12;
	v4 =	vld.idx.msk [tilespmem:v4+s2+$0x0], $0xffff  }
0x38: {  	v10 =	vadd.s32 s1, v10;
	v17 =	vld.idx.msk [tilespmem:v17+s2+$0x0], $0xffff  }
0x39: {  	v12 =	vadd.s32 s2, v13;
	v5 =	vld.idx.msk [tilespmem:v0+s2+$0x0], $0xffff  }
0x3a: {  	v0 =	vadd.s32 s2, v14;
	v1 =	vld.idx.msk [tilespmem:v1+s2+$0x0], $0xffff  }
0x3b: {  	v13 =	vadd.s32 s2, v15;
	v2 =	vld.idx.msk [tilespmem:v2+s2+$0x0], $0xffff  }
0x3c: {  	v15 =	vadd.s32 s2, v16;
	v3 =	vld.idx.msk [tilespmem:v3+s2+$0x0], $0xffff  }
0x3d: {  	v20 =	vadd.s32 s1, v11;
	v10 =	vld.idx.msk [tilespmem:v10+s2+$0x0], $0xffff  }
0x3e: {  	v12 =	vld.idx.msk [tilespmem:v12+s2+$0x0], $0xffff  }
0x3f: {  	v14 =	vld.idx.msk [tilespmem:v0+s2+$0x0], $0xffff;
	v0 =	vimm.f32 $0.0e+00  }
0x40: {  	v13 =	vld.idx.msk [tilespmem:v13+s2+$0x0], $0xffff;
	v19 =	vadd.f32 v17, v0;
	v17 =	vadd.f32 v1, v0  }
0x41: {  	v11 =	vld.idx.msk [tilespmem:v15+s2+$0x0], $0xffff;
	v18 =	vadd.f32 v2, v0;
	v16 =	vadd.f32 v3, v0  }
0x42: {  	s31 =	simm.s32 $0x0;
	s0 =	simm.s32 $0x19180;
	s1 =	simm.s32 $0x0;
	v15 =	vld.idx.msk [tilespmem:v20+s2+$0x0], $0xffff;
	v3 =	vimm.f32 $0.0e+00;
	v2 =	vimm.f32 $0.0e+00;
	v1 =	vimm.f32 $0.0e+00  }
.LBB2_2:
0x43: {  	v20 =	vld [tilespmem:s0+$0x0];
	v19 =	vadd.f32 v6, v19;
	v17 =	vadd.f32 v7, v17  }
0x44: {  	v6 =	vld [tilespmem:s0+$0x10];
	v18 =	vadd.f32 v8, v18;
	v16 =	vadd.f32 v9, v16  }
0x45: {  	v0 =	vadd.f32 v12, v0;
	v3 =	vadd.f32 v14, v3;
	v7 =	vld [tilespmem:s0+$0x20]  }
0x46: {  	v2 =	vadd.f32 v13, v2;
	v1 =	vadd.f32 v11, v1;
	v8 =	vld [tilespmem:s0+$0x30]  }
0x47: {  	v0 =	vadd.f32 v4, v0;
	v3 =	vadd.f32 v5, v3;
	v9 =	vld [tilespmem:s0+$0x40]  }
0x48: {  	v2 =	vadd.f32 v10, v2;
	v1 =	vadd.f32 v15, v1;
	v4 =	vld [tilespmem:s0+$0x50]  }
0x49: {  	v10 =	vld [tilespmem:s0+$0x60]  }
0x4a: {  	v11 =	vld [tilespmem:s0+$0x70]  }
0x4b: {  	v5 =	vld [tilespmem:s0+$0xFFFFFF80]  }
0x4c: {  	s1 =	sadd.s32 $0x800, s1;
	v12 =	vld [tilespmem:s0+$0xFFFFFF90]  }
0x4d: {  	s23 =	sadd.s32 $0x400, s1;
	v13 =	vld [tilespmem:s0+$0xFFFFFFA0]  }
0x4e: {  	v15 =	vadd.s32 s23, v20;
	v14 =	vld [tilespmem:s0+$0xFFFFFFB0]  }
0x4f: {  	v21 =	vadd.s32 s23, v6;
	v20 =	vld [tilespmem:s0+$0xFFFFFFC0]  }
0x50: {  	v23 =	vadd.s32 s23, v7;
	v22 =	vld [tilespmem:s0+$0xFFFFFFD0]  }
0x51: {  	v25 =	vadd.s32 s23, v8;
	v24 =	vld [tilespmem:s0+$0xFFFFFFE0]  }
0x52: {  	v27 =	vadd.s32 s23, v9;
	v26 =	vld [tilespmem:s0+$0xFFFFFFF0]  }
0x53: {  	v6 =	vld.idx.msk [tilespmem:v15+s2+$0x0], $0xffff;
	v15 =	vadd.s32 s23, v4  }
0x54: {  	v28 =	vadd.s32 s1, v5;
	v7 =	vld.idx.msk [tilespmem:v21+s2+$0x0], $0xffff  }
0x55: {  	v12 =	vadd.s32 s1, v12;
	v8 =	vld.idx.msk [tilespmem:v23+s2+$0x0], $0xffff  }
0x56: {  	s31 =	sadd.s32 $0x2, s31;
	v13 =	vadd.s32 s1, v13;
	v9 =	vld.idx.msk [tilespmem:v25+s2+$0x0], $0xffff  }
0x57: {  	p0 =	slt.u32 s31, $0x62;
	v14 =	vadd.s32 s1, v14;
	v4 =	vld.idx.msk [tilespmem:v27+s2+$0x0], $0xffff  }
0x58: {  	v20 =	vadd.s32 s1, v20;
	v5 =	vld.idx.msk [tilespmem:v15+s2+$0x0], $0xffff  }
0x59: {  	v21 =	vadd.s32 s1, v22;
	v15 =	vld.idx.msk [tilespmem:v28+s2+$0x0], $0xffff  }
0x5a: {  	v23 =	vadd.s32 s1, v24;
	v22 =	vld.idx.msk [tilespmem:v12+s2+$0x0], $0xffff  }
0x5b: {  	v25 =	vadd.s32 s1, v26;
	v24 =	vld.idx.msk [tilespmem:v13+s2+$0x0], $0xffff  }
0x5c: {  	v10 =	vadd.s32 s23, v10;
	v26 =	vld.idx.msk [tilespmem:v14+s2+$0x0], $0xffff  }
0x5d: {  	v12 =	vld.idx.msk [tilespmem:v20+s2+$0x0], $0xffff;
	v20 =	vadd.s32 s23, v11  }
.Ltmp0:
0x5e: {  	v14 =	vld.idx.msk [tilespmem:v21+s2+$0x0], $0xffff;
	(pc) =	sbr.rel @p0 .LBB2_2-.Ltmp0, $4  }
0x5f: {  	v13 =	vld.idx.msk [tilespmem:v23+s2+$0x0], $0xffff  }
0x60: {  	v11 =	vld.idx.msk [tilespmem:v25+s2+$0x0], $0xffff  }
0x61: {  	v19 =	vadd.f32 v15, v19;
	v17 =	vadd.f32 v22, v17;
	v10 =	vld.idx.msk [tilespmem:v10+s2+$0x0], $0xffff  }
0x62: {  	s0 =	sadd.s32 $0x100, s0;
	v18 =	vadd.f32 v24, v18;
	v16 =	vadd.f32 v26, v16;
	v15 =	vld.idx.msk [tilespmem:v20+s2+$0x0], $0xffff  }
0x63: {  	[tilespmem:s17], [sflag:$0x2] =	stream.strided.gather [hbm4b:s8+s15], $0x3000, s16, s15, $0x38;
	[tilespmem:$0x1FA00] =	vst v63  }
0x64: {  	v6 =	vadd.f32 v6, v19;
	s0 =	sadd.s32 $0x30000, s8;
	s31 =	simm.s32 $0x0  }
0x65: {  	v7 =	vadd.f32 v7, v17;
	v0 =	vadd.f32 v12, v0;
	[tilespmem:s18], [sflag:$0x2] =	stream.linear.gather [hbm4b:s0+s31], $0x200, $0x38;
	[tilespmem:$0x1FA00] =	vst v63  }
0x66: {  	v3 =	vadd.f32 v14, v3;
	v8 =	vadd.f32 v8, v18;
	[tilespmem:$0x1F800] =	vst v6  }
0x67: {  	v0 =	vadd.f32 v4, v0;
	[tilespmem:$0x1F810] =	vst v7  }
0x68: {  	v2 =	vadd.f32 v13, v2;
	v3 =	vadd.f32 v5, v3;
	[tilespmem:$0x1F820] =	vst v8  }
0x69: {  	v1 =	vadd.f32 v11, v1;
	v6 =	vadd.f32 v9, v16;
	[tilespmem:$0x1F840] =	vst v0  }
0x6a: {  	v2 =	vadd.f32 v10, v2;
	[tilespmem:$0x1F850] =	vst v3  }
0x6b: {  	v0 =	vadd.f32 v15, v1;
	[tilespmem:$0x1F830] =	vst v6  }
0x6c: {  	[tilespmem:$0x1F860] =	vst v2  }
0x6d: {  	s1 =	simm.s32 $0x1F800;
	[tilespmem:$0x1F870] =	vst v0  }
0x6e: {  	[hbm4b:s9+s31] =	stream.linear.scatter [tilespmem:s1], [sflag:$0x4], $0x80, $0x38;
	[tilespmem:$0x1FA00] =	vst v63  }
0x6f: {  	_ =	swait.ge [sflag:s24], $0x3200  }
0x70: {  	[sflag:s24] =	ssyncset.done $0x0  }
0x71: {  	s23 =	simm.s32 $0x1C480;
	[sflag:s24] =	ssyncadd.s32 $0xFFFFCE00  }
0x72: {  	v0 =	vld [tilespmem:s23+$0x0]  }
0x73: {  	v1 =	vld [tilespmem:s23+$0x10]  }
0x74: {  	v2 =	vld [tilespmem:s23+$0x20]  }
0x75: {  	v3 =	vld [tilespmem:s23+$0x30]  }
0x76: {  	v4 =	vld [tilespmem:s23+$0x40]  }
0x77: {  	v5 =	vld [tilespmem:s23+$0x50]  }
0x78: {  	v10 =	vld [tilespmem:s23+$0x60]  }
0x79: {  	v11 =	vld [tilespmem:s23+$0x70]  }
0x7a: {  	v7 =	vld [tilespmem:s23+$0xFFFFFF80]  }
0x7b: {  	v8 =	vld [tilespmem:s23+$0xFFFFFF90]  }
0x7c: {  	s1 =	simm.s32 $0x400;
	v9 =	vld [tilespmem:s23+$0xFFFFFFA0]  }
0x7d: {  	v12 =	vld [tilespmem:s23+$0xFFFFFFB0];
	v0 =	vadd.s32 s1, v0  }
0x7e: {  	v13 =	vld [tilespmem:s23+$0xFFFFFFC0];
	v1 =	vadd.s32 s1, v1  }
0x7f: {  	v14 =	vld [tilespmem:s23+$0xFFFFFFD0];
	v2 =	vadd.s32 s1, v2  }
0x80: {  	v15 =	vld [tilespmem:s23+$0xFFFFFFE0];
	v3 =	vadd.s32 s1, v3  }
0x81: {  	v16 =	vld [tilespmem:s23+$0xFFFFFFF0];
	v4 =	vadd.s32 s1, v4  }
0x82: {  	v17 =	vadd.s32 s31, v7;
	v6 =	vld.idx.msk [tilespmem:v0+s2+$0x0], $0xffff  }
0x83: {  	v0 =	vadd.s32 s1, v5;
	v7 =	vld.idx.msk [tilespmem:v1+s2+$0x0], $0xffff  }
0x84: {  	v1 =	vadd.s32 s31, v8;
	v8 =	vld.idx.msk [tilespmem:v2+s2+$0x0], $0xffff  }
0x85: {  	v2 =	vadd.s32 s31, v9;
	v9 =	vld.idx.msk [tilespmem:v3+s2+$0x0], $0xffff  }
0x86: {  	v3 =	vadd.s32 s31, v12;
	v4 =	vld.idx.msk [tilespmem:v4+s2+$0x0], $0xffff  }
0x87: {  	v10 =	vadd.s32 s1, v10;
	v17 =	vld.idx.msk [tilespmem:v17+s2+$0x0], $0xffff  }
0x88: {  	v12 =	vadd.s32 s31, v13;
	v5 =	vld.idx.msk [tilespmem:v0+s2+$0x0], $0xffff  }
0x89: {  	v0 =	vadd.s32 s31, v14;
	v1 =	vld.idx.msk [tilespmem:v1+s2+$0x0], $0xffff  }
0x8a: {  	v13 =	vadd.s32 s31, v15;
	v2 =	vld.idx.msk [tilespmem:v2+s2+$0x0], $0xffff  }
0x8b: {  	v15 =	vadd.s32 s31, v16;
	v3 =	vld.idx.msk [tilespmem:v3+s2+$0x0], $0xffff  }
0x8c: {  	v20 =	vadd.s32 s1, v11;
	v10 =	vld.idx.msk [tilespmem:v10+s2+$0x0], $0xffff  }
0x8d: {  	v12 =	vld.idx.msk [tilespmem:v12+s2+$0x0], $0xffff  }
0x8e: {  	v14 =	vld.idx.msk [tilespmem:v0+s2+$0x0], $0xffff;
	v0 =	vimm.f32 $0.0e+00  }
0x8f: {  	v13 =	vld.idx.msk [tilespmem:v13+s2+$0x0], $0xffff;
	v19 =	vadd.f32 v17, v0;
	v17 =	vadd.f32 v1, v0  }
0x90: {  	v11 =	vld.idx.msk [tilespmem:v15+s2+$0x0], $0xffff;
	v18 =	vadd.f32 v2, v0;
	v16 =	vadd.f32 v3, v0  }
0x91: {  	s0 =	simm.s32 $0x0;
	s1 =	simm.s32 $0x1C580;
	v15 =	vld.idx.msk [tilespmem:v20+s2+$0x0], $0xffff;
	v3 =	vimm.f32 $0.0e+00;
	v2 =	vimm.f32 $0.0e+00;
	v1 =	vimm.f32 $0.0e+00  }
.LBB2_4:
0x92: {  	v20 =	vld [tilespmem:s1+$0x0];
	v19 =	vadd.f32 v6, v19;
	v17 =	vadd.f32 v7, v17  }
0x93: {  	v6 =	vld [tilespmem:s1+$0x10];
	v18 =	vadd.f32 v8, v18;
	v16 =	vadd.f32 v9, v16  }
0x94: {  	v0 =	vadd.f32 v12, v0;
	v3 =	vadd.f32 v14, v3;
	v7 =	vld [tilespmem:s1+$0x20]  }
0x95: {  	v2 =	vadd.f32 v13, v2;
	v1 =	vadd.f32 v11, v1;
	v8 =	vld [tilespmem:s1+$0x30]  }
0x96: {  	v0 =	vadd.f32 v4, v0;
	v3 =	vadd.f32 v5, v3;
	v9 =	vld [tilespmem:s1+$0x40]  }
0x97: {  	v2 =	vadd.f32 v10, v2;
	v1 =	vadd.f32 v15, v1;
	v4 =	vld [tilespmem:s1+$0x50]  }
0x98: {  	v10 =	vld [tilespmem:s1+$0x60]  }
0x99: {  	v11 =	vld [tilespmem:s1+$0x70]  }
0x9a: {  	v5 =	vld [tilespmem:s1+$0xFFFFFF80]  }
0x9b: {  	s31 =	sadd.s32 $0x800, s31;
	v12 =	vld [tilespmem:s1+$0xFFFFFF90]  }
0x9c: {  	s23 =	sadd.s32 $0x400, s31;
	v13 =	vld [tilespmem:s1+$0xFFFFFFA0]  }
0x9d: {  	v15 =	vadd.s32 s23, v20;
	v14 =	vld [tilespmem:s1+$0xFFFFFFB0]  }
0x9e: {  	v21 =	vadd.s32 s23, v6;
	v20 =	vld [tilespmem:s1+$0xFFFFFFC0]  }
0x9f: {  	v23 =	vadd.s32 s23, v7;
	v22 =	vld [tilespmem:s1+$0xFFFFFFD0]  }
0xa0: {  	v25 =	vadd.s32 s23, v8;
	v24 =	vld [tilespmem:s1+$0xFFFFFFE0]  }
0xa1: {  	v27 =	vadd.s32 s23, v9;
	v26 =	vld [tilespmem:s1+$0xFFFFFFF0]  }
0xa2: {  	v6 =	vld.idx.msk [tilespmem:v15+s2+$0x0], $0xffff;
	v15 =	vadd.s32 s23, v4  }
0xa3: {  	v28 =	vadd.s32 s31, v5;
	v7 =	vld.idx.msk [tilespmem:v21+s2+$0x0], $0xffff  }
0xa4: {  	v12 =	vadd.s32 s31, v12;
	v8 =	vld.idx.msk [tilespmem:v23+s2+$0x0], $0xffff  }
0xa5: {  	s0 =	sadd.s32 $0x2, s0;
	v13 =	vadd.s32 s31, v13;
	v9 =	vld.idx.msk [tilespmem:v25+s2+$0x0], $0xffff  }
0xa6: {  	p0 =	slt.u32 s0, $0x62;
	v14 =	vadd.s32 s31, v14;
	v4 =	vld.idx.msk [tilespmem:v27+s2+$0x0], $0xffff  }
0xa7: {  	v20 =	vadd.s32 s31, v20;
	v5 =	vld.idx.msk [tilespmem:v15+s2+$0x0], $0xffff  }
0xa8: {  	v21 =	vadd.s32 s31, v22;
	v15 =	vld.idx.msk [tilespmem:v28+s2+$0x0], $0xffff  }
0xa9: {  	v23 =	vadd.s32 s31, v24;
	v22 =	vld.idx.msk [tilespmem:v12+s2+$0x0], $0xffff  }
0xaa: {  	v25 =	vadd.s32 s31, v26;
	v24 =	vld.idx.msk [tilespmem:v13+s2+$0x0], $0xffff  }
0xab: {  	v10 =	vadd.s32 s23, v10;
	v26 =	vld.idx.msk [tilespmem:v14+s2+$0x0], $0xffff  }
0xac: {  	v12 =	vld.idx.msk [tilespmem:v20+s2+$0x0], $0xffff;
	v20 =	vadd.s32 s23, v11  }
.Ltmp1:
0xad: {  	v14 =	vld.idx.msk [tilespmem:v21+s2+$0x0], $0xffff;
	(pc) =	sbr.rel @p0 .LBB2_4-.Ltmp1, $4  }
0xae: {  	v13 =	vld.idx.msk [tilespmem:v23+s2+$0x0], $0xffff  }
0xaf: {  	v11 =	vld.idx.msk [tilespmem:v25+s2+$0x0], $0xffff  }
0xb0: {  	v19 =	vadd.f32 v15, v19;
	v17 =	vadd.f32 v22, v17;
	v10 =	vld.idx.msk [tilespmem:v10+s2+$0x0], $0xffff  }
0xb1: {  	s1 =	sadd.s32 $0x100, s1;
	v18 =	vadd.f32 v24, v18;
	v16 =	vadd.f32 v26, v16;
	v15 =	vld.idx.msk [tilespmem:v20+s2+$0x0], $0xffff  }
0xb2: {  	[tilespmem:s19], [sflag:$0x3] =	stream.strided.gather [hbm4b:s10+s15], $0x3000, s16, s15, $0x38;
	[tilespmem:$0x1FA00] =	vst v63  }
0xb3: {  	v6 =	vadd.f32 v6, v19;
	s0 =	sadd.s32 $0x30000, s10;
	s31 =	simm.s32 $0x0  }
0xb4: {  	v7 =	vadd.f32 v7, v17;
	v0 =	vadd.f32 v12, v0;
	[tilespmem:s20], [sflag:$0x3] =	stream.linear.gather [hbm4b:s0+s31], $0x200, $0x38;
	[tilespmem:$0x1FA00] =	vst v63  }
0xb5: {  	v3 =	vadd.f32 v14, v3;
	v8 =	vadd.f32 v8, v18;
	[tilespmem:$0x1F880] =	vst v6  }
0xb6: {  	v0 =	vadd.f32 v4, v0;
	[tilespmem:$0x1F890] =	vst v7  }
0xb7: {  	v2 =	vadd.f32 v13, v2;
	v3 =	vadd.f32 v5, v3;
	[tilespmem:$0x1F8A0] =	vst v8  }
0xb8: {  	v1 =	vadd.f32 v11, v1;
	v6 =	vadd.f32 v9, v16;
	[tilespmem:$0x1F8C0] =	vst v0  }
0xb9: {  	v2 =	vadd.f32 v10, v2;
	[tilespmem:$0x1F8D0] =	vst v3  }
0xba: {  	v0 =	vadd.f32 v15, v1;
	[tilespmem:$0x1F8B0] =	vst v6  }
0xbb: {  	[tilespmem:$0x1F8E0] =	vst v2  }
0xbc: {  	[tilespmem:$0x1F8F0] =	vst v0  }
0xbd: {  	[hbm4b:s11+s31] =	stream.linear.scatter [tilespmem:s25], [sflag:$0x4], $0x80, $0x38;
	[tilespmem:$0x1FA00] =	vst v63  }
0xbe: {  	_ =	swait.ge [sflag:s22], $0x3200  }
0xbf: {  	[sflag:s22] =	ssyncset.done $0x0  }
0xc0: {  	s23 =	simm.s32 $0x19080;
	[sflag:s22] =	ssyncadd.s32 $0xFFFFCE00  }
0xc1: {  	v0 =	vld [tilespmem:s23+$0x0]  }
0xc2: {  	v1 =	vld [tilespmem:s23+$0x10]  }
0xc3: {  	v2 =	vld [tilespmem:s23+$0x20]  }
0xc4: {  	v3 =	vld [tilespmem:s23+$0x30]  }
0xc5: {  	v4 =	vld [tilespmem:s23+$0x40]  }
0xc6: {  	v6 =	vld [tilespmem:s23+$0x50]  }
0xc7: {  	v10 =	vld [tilespmem:s23+$0x60]  }
0xc8: {  	v11 =	vld [tilespmem:s23+$0x70]  }
0xc9: {  	v7 =	vld [tilespmem:s23+$0xFFFFFF80]  }
0xca: {  	v8 =	vld [tilespmem:s23+$0xFFFFFF90]  }
0xcb: {  	s1 =	simm.s32 $0x400;
	v9 =	vld [tilespmem:s23+$0xFFFFFFA0]  }
0xcc: {  	v12 =	vld [tilespmem:s23+$0xFFFFFFB0];
	v0 =	vadd.s32 s1, v0  }
0xcd: {  	v13 =	vld [tilespmem:s23+$0xFFFFFFC0];
	v1 =	vadd.s32 s1, v1  }
0xce: {  	v14 =	vld [tilespmem:s23+$0xFFFFFFD0];
	v2 =	vadd.s32 s1, v2  }
0xcf: {  	v15 =	vld [tilespmem:s23+$0xFFFFFFE0];
	v3 =	vadd.s32 s1, v3  }
0xd0: {  	v16 =	vld [tilespmem:s23+$0xFFFFFFF0];
	v4 =	vadd.s32 s1, v4  }
0xd1: {  	v17 =	vadd.s32 s31, v7;
	v5 =	vld.idx.msk [tilespmem:v0+s2+$0x0], $0xffff  }
0xd2: {  	v0 =	vadd.s32 s1, v6;
	v7 =	vld.idx.msk [tilespmem:v1+s2+$0x0], $0xffff  }
0xd3: {  	v1 =	vadd.s32 s31, v8;
	v8 =	vld.idx.msk [tilespmem:v2+s2+$0x0], $0xffff  }
0xd4: {  	v2 =	vadd.s32 s31, v9;
	v9 =	vld.idx.msk [tilespmem:v3+s2+$0x0], $0xffff  }
0xd5: {  	v3 =	vadd.s32 s31, v12;
	v4 =	vld.idx.msk [tilespmem:v4+s2+$0x0], $0xffff  }
0xd6: {  	v10 =	vadd.s32 s1, v10;
	v17 =	vld.idx.msk [tilespmem:v17+s2+$0x0], $0xffff  }
0xd7: {  	v12 =	vadd.s32 s31, v13;
	v6 =	vld.idx.msk [tilespmem:v0+s2+$0x0], $0xffff  }
0xd8: {  	v0 =	vadd.s32 s31, v14;
	v1 =	vld.idx.msk [tilespmem:v1+s2+$0x0], $0xffff  }
0xd9: {  	v13 =	vadd.s32 s31, v15;
	v2 =	vld.idx.msk [tilespmem:v2+s2+$0x0], $0xffff  }
0xda: {  	v15 =	vadd.s32 s31, v16;
	v3 =	vld.idx.msk [tilespmem:v3+s2+$0x0], $0xffff  }
0xdb: {  	v20 =	vadd.s32 s1, v11;
	v10 =	vld.idx.msk [tilespmem:v10+s2+$0x0], $0xffff  }
0xdc: {  	v12 =	vld.idx.msk [tilespmem:v12+s2+$0x0], $0xffff  }
0xdd: {  	v14 =	vld.idx.msk [tilespmem:v0+s2+$0x0], $0xffff;
	v0 =	vimm.f32 $0.0e+00  }
0xde: {  	v13 =	vld.idx.msk [tilespmem:v13+s2+$0x0], $0xffff;
	v17 =	vadd.f32 v17, v0;
	v18 =	vadd.f32 v1, v0  }
0xdf: {  	v11 =	vld.idx.msk [tilespmem:v15+s2+$0x0], $0xffff;
	v19 =	vadd.f32 v2, v0;
	v16 =	vadd.f32 v3, v0  }
0xe0: {  	s0 =	simm.s32 $0x0;
	s1 =	simm.s32 $0x19180;
	v15 =	vld.idx.msk [tilespmem:v20+s2+$0x0], $0xffff;
	v3 =	vimm.f32 $0.0e+00;
	v2 =	vimm.f32 $0.0e+00;
	v1 =	vimm.f32 $0.0e+00  }
.LBB2_6:
0xe1: {  	v20 =	vld [tilespmem:s1+$0x0];
	v17 =	vadd.f32 v5, v17;
	v18 =	vadd.f32 v7, v18  }
0xe2: {  	v5 =	vld [tilespmem:s1+$0x10];
	v19 =	vadd.f32 v8, v19;
	v16 =	vadd.f32 v9, v16  }
0xe3: {  	v0 =	vadd.f32 v12, v0;
	v3 =	vadd.f32 v14, v3;
	v7 =	vld [tilespmem:s1+$0x20]  }
0xe4: {  	v2 =	vadd.f32 v13, v2;
	v1 =	vadd.f32 v11, v1;
	v8 =	vld [tilespmem:s1+$0x30]  }
0xe5: {  	v0 =	vadd.f32 v4, v0;
	v3 =	vadd.f32 v6, v3;
	v9 =	vld [tilespmem:s1+$0x40]  }
0xe6: {  	v2 =	vadd.f32 v10, v2;
	v1 =	vadd.f32 v15, v1;
	v4 =	vld [tilespmem:s1+$0x50]  }
0xe7: {  	v10 =	vld [tilespmem:s1+$0x60]  }
0xe8: {  	v11 =	vld [tilespmem:s1+$0x70]  }
0xe9: {  	v6 =	vld [tilespmem:s1+$0xFFFFFF80]  }
0xea: {  	s31 =	sadd.s32 $0x800, s31;
	v12 =	vld [tilespmem:s1+$0xFFFFFF90]  }
0xeb: {  	s23 =	sadd.s32 $0x400, s31;
	v13 =	vld [tilespmem:s1+$0xFFFFFFA0]  }
0xec: {  	v15 =	vadd.s32 s23, v20;
	v14 =	vld [tilespmem:s1+$0xFFFFFFB0]  }
0xed: {  	v21 =	vadd.s32 s23, v5;
	v20 =	vld [tilespmem:s1+$0xFFFFFFC0]  }
0xee: {  	v23 =	vadd.s32 s23, v7;
	v22 =	vld [tilespmem:s1+$0xFFFFFFD0]  }
0xef: {  	v25 =	vadd.s32 s23, v8;
	v24 =	vld [tilespmem:s1+$0xFFFFFFE0]  }
0xf0: {  	v27 =	vadd.s32 s23, v9;
	v26 =	vld [tilespmem:s1+$0xFFFFFFF0]  }
0xf1: {  	v5 =	vld.idx.msk [tilespmem:v15+s2+$0x0], $0xffff;
	v15 =	vadd.s32 s23, v4  }
0xf2: {  	v28 =	vadd.s32 s31, v6;
	v7 =	vld.idx.msk [tilespmem:v21+s2+$0x0], $0xffff  }
0xf3: {  	v12 =	vadd.s32 s31, v12;
	v8 =	vld.idx.msk [tilespmem:v23+s2+$0x0], $0xffff  }
0xf4: {  	s0 =	sadd.s32 $0x2, s0;
	v13 =	vadd.s32 s31, v13;
	v9 =	vld.idx.msk [tilespmem:v25+s2+$0x0], $0xffff  }
0xf5: {  	p0 =	slt.u32 s0, $0x62;
	v14 =	vadd.s32 s31, v14;
	v4 =	vld.idx.msk [tilespmem:v27+s2+$0x0], $0xffff  }
0xf6: {  	v20 =	vadd.s32 s31, v20;
	v6 =	vld.idx.msk [tilespmem:v15+s2+$0x0], $0xffff  }
0xf7: {  	v21 =	vadd.s32 s31, v22;
	v15 =	vld.idx.msk [tilespmem:v28+s2+$0x0], $0xffff  }
0xf8: {  	v23 =	vadd.s32 s31, v24;
	v22 =	vld.idx.msk [tilespmem:v12+s2+$0x0], $0xffff  }
0xf9: {  	v25 =	vadd.s32 s31, v26;
	v24 =	vld.idx.msk [tilespmem:v13+s2+$0x0], $0xffff  }
0xfa: {  	v10 =	vadd.s32 s23, v10;
	v26 =	vld.idx.msk [tilespmem:v14+s2+$0x0], $0xffff  }
0xfb: {  	v12 =	vld.idx.msk [tilespmem:v20+s2+$0x0], $0xffff;
	v20 =	vadd.s32 s23, v11  }
.Ltmp2:
0xfc: {  	v14 =	vld.idx.msk [tilespmem:v21+s2+$0x0], $0xffff;
	(pc) =	sbr.rel @p0 .LBB2_6-.Ltmp2, $4  }
0xfd: {  	v13 =	vld.idx.msk [tilespmem:v23+s2+$0x0], $0xffff  }
0xfe: {  	v11 =	vld.idx.msk [tilespmem:v25+s2+$0x0], $0xffff  }
0xff: {  	v17 =	vadd.f32 v15, v17;
	v18 =	vadd.f32 v22, v18;
	v10 =	vld.idx.msk [tilespmem:v10+s2+$0x0], $0xffff  }
0x100: {  	s1 =	sadd.s32 $0x100, s1;
	v19 =	vadd.f32 v24, v19;
	v16 =	vadd.f32 v26, v16;
	v15 =	vld.idx.msk [tilespmem:v20+s2+$0x0], $0xffff  }
0x101: {  	v5 =	vadd.f32 v5, v17  }
0x102: {  	v7 =	vadd.f32 v7, v18  }
0x103: {  	v0 =	vadd.f32 v12, v0;
	v8 =	vadd.f32 v8, v19;
	[tilespmem:$0x1F900] =	vst v5  }
0x104: {  	v3 =	vadd.f32 v14, v3;
	v5 =	vadd.f32 v9, v16;
	[tilespmem:$0x1F910] =	vst v7  }
0x105: {  	v2 =	vadd.f32 v13, v2;
	v0 =	vadd.f32 v4, v0;
	[tilespmem:$0x1F920] =	vst v8  }
0x106: {  	v1 =	vadd.f32 v11, v1;
	v3 =	vadd.f32 v6, v3;
	[tilespmem:$0x1F930] =	vst v5  }
0x107: {  	v2 =	vadd.f32 v10, v2;
	[tilespmem:$0x1F940] =	vst v0  }
0x108: {  	v0 =	vadd.f32 v15, v1;
	[tilespmem:$0x1F950] =	vst v3  }
0x109: {  	[tilespmem:$0x1F960] =	vst v2  }
0x10a: {  	s31 =	simm.s32 $0x0;
	[tilespmem:$0x1F970] =	vst v0  }
0x10b: {  	[hbm4b:s12+s31] =	stream.linear.scatter [tilespmem:s26], [sflag:$0x4], $0x80, $0x38;
	[tilespmem:$0x1FA00] =	vst v63  }
0x10c: {  	_ =	swait.ge [sflag:s24], $0x3200  }
0x10d: {  	[sflag:s24] =	ssyncset.done $0x0  }
0x10e: {  	s0 =	simm.s32 $0x1C480;
	[sflag:s24] =	ssyncadd.s32 $0xFFFFCE00  }
0x10f: {  	v0 =	vld [tilespmem:s0+$0x0]  }
0x110: {  	v1 =	vld [tilespmem:s0+$0x10]  }
0x111: {  	v2 =	vld [tilespmem:s0+$0x20]  }
0x112: {  	v3 =	vld [tilespmem:s0+$0x30]  }
0x113: {  	v4 =	vld [tilespmem:s0+$0x40]  }
0x114: {  	v6 =	vld [tilespmem:s0+$0x50]  }
0x115: {  	v10 =	vld [tilespmem:s0+$0x60]  }
0x116: {  	v11 =	vld [tilespmem:s0+$0x70]  }
0x117: {  	v7 =	vld [tilespmem:s0+$0xFFFFFF80]  }
0x118: {  	v8 =	vld [tilespmem:s0+$0xFFFFFF90]  }
0x119: {  	s1 =	simm.s32 $0x400;
	v9 =	vld [tilespmem:s0+$0xFFFFFFA0]  }
0x11a: {  	v12 =	vld [tilespmem:s0+$0xFFFFFFB0];
	v0 =	vadd.s32 s1, v0  }
0x11b: {  	v13 =	vld [tilespmem:s0+$0xFFFFFFC0];
	v1 =	vadd.s32 s1, v1  }
0x11c: {  	v14 =	vld [tilespmem:s0+$0xFFFFFFD0];
	v2 =	vadd.s32 s1, v2  }
0x11d: {  	v15 =	vld [tilespmem:s0+$0xFFFFFFE0];
	v3 =	vadd.s32 s1, v3  }
0x11e: {  	v16 =	vld [tilespmem:s0+$0xFFFFFFF0];
	v4 =	vadd.s32 s1, v4  }
0x11f: {  	v17 =	vadd.s32 s31, v7;
	v5 =	vld.idx.msk [tilespmem:v0+s2+$0x0], $0xffff  }
0x120: {  	v0 =	vadd.s32 s1, v6;
	v7 =	vld.idx.msk [tilespmem:v1+s2+$0x0], $0xffff  }
0x121: {  	v1 =	vadd.s32 s31, v8;
	v8 =	vld.idx.msk [tilespmem:v2+s2+$0x0], $0xffff  }
0x122: {  	v2 =	vadd.s32 s31, v9;
	v9 =	vld.idx.msk [tilespmem:v3+s2+$0x0], $0xffff  }
0x123: {  	v3 =	vadd.s32 s31, v12;
	v4 =	vld.idx.msk [tilespmem:v4+s2+$0x0], $0xffff  }
0x124: {  	v10 =	vadd.s32 s1, v10;
	v17 =	vld.idx.msk [tilespmem:v17+s2+$0x0], $0xffff  }
0x125: {  	v12 =	vadd.s32 s31, v13;
	v6 =	vld.idx.msk [tilespmem:v0+s2+$0x0], $0xffff  }
0x126: {  	v0 =	vadd.s32 s31, v14;
	v1 =	vld.idx.msk [tilespmem:v1+s2+$0x0], $0xffff  }
0x127: {  	v13 =	vadd.s32 s31, v15;
	v2 =	vld.idx.msk [tilespmem:v2+s2+$0x0], $0xffff  }
0x128: {  	v15 =	vadd.s32 s31, v16;
	v3 =	vld.idx.msk [tilespmem:v3+s2+$0x0], $0xffff  }
0x129: {  	v20 =	vadd.s32 s1, v11;
	v10 =	vld.idx.msk [tilespmem:v10+s2+$0x0], $0xffff  }
0x12a: {  	v12 =	vld.idx.msk [tilespmem:v12+s2+$0x0], $0xffff  }
0x12b: {  	v14 =	vld.idx.msk [tilespmem:v0+s2+$0x0], $0xffff;
	v0 =	vimm.f32 $0.0e+00  }
0x12c: {  	v13 =	vld.idx.msk [tilespmem:v13+s2+$0x0], $0xffff;
	v17 =	vadd.f32 v17, v0;
	v18 =	vadd.f32 v1, v0  }
0x12d: {  	v11 =	vld.idx.msk [tilespmem:v15+s2+$0x0], $0xffff;
	v19 =	vadd.f32 v2, v0;
	v16 =	vadd.f32 v3, v0  }
0x12e: {  	s0 =	simm.s32 $0x0;
	s1 =	simm.s32 $0x1C580;
	v15 =	vld.idx.msk [tilespmem:v20+s2+$0x0], $0xffff;
	v3 =	vimm.f32 $0.0e+00;
	v2 =	vimm.f32 $0.0e+00;
	v1 =	vimm.f32 $0.0e+00  }
.LBB2_8:
0x12f: {  	v20 =	vld [tilespmem:s1+$0x0];
	v17 =	vadd.f32 v5, v17;
	v18 =	vadd.f32 v7, v18  }
0x130: {  	v5 =	vld [tilespmem:s1+$0x10];
	v19 =	vadd.f32 v8, v19;
	v16 =	vadd.f32 v9, v16  }
0x131: {  	v0 =	vadd.f32 v12, v0;
	v3 =	vadd.f32 v14, v3;
	v7 =	vld [tilespmem:s1+$0x20]  }
0x132: {  	v2 =	vadd.f32 v13, v2;
	v1 =	vadd.f32 v11, v1;
	v8 =	vld [tilespmem:s1+$0x30]  }
0x133: {  	v0 =	vadd.f32 v4, v0;
	v3 =	vadd.f32 v6, v3;
	v9 =	vld [tilespmem:s1+$0x40]  }
0x134: {  	v2 =	vadd.f32 v10, v2;
	v1 =	vadd.f32 v15, v1;
	v4 =	vld [tilespmem:s1+$0x50]  }
0x135: {  	v10 =	vld [tilespmem:s1+$0x60]  }
0x136: {  	v11 =	vld [tilespmem:s1+$0x70]  }
0x137: {  	v6 =	vld [tilespmem:s1+$0xFFFFFF80]  }
0x138: {  	s31 =	sadd.s32 $0x800, s31;
	v12 =	vld [tilespmem:s1+$0xFFFFFF90]  }
0x139: {  	s23 =	sadd.s32 $0x400, s31;
	v13 =	vld [tilespmem:s1+$0xFFFFFFA0]  }
0x13a: {  	v15 =	vadd.s32 s23, v20;
	v14 =	vld [tilespmem:s1+$0xFFFFFFB0]  }
0x13b: {  	v21 =	vadd.s32 s23, v5;
	v20 =	vld [tilespmem:s1+$0xFFFFFFC0]  }
0x13c: {  	v23 =	vadd.s32 s23, v7;
	v22 =	vld [tilespmem:s1+$0xFFFFFFD0]  }
0x13d: {  	v25 =	vadd.s32 s23, v8;
	v24 =	vld [tilespmem:s1+$0xFFFFFFE0]  }
0x13e: {  	v27 =	vadd.s32 s23, v9;
	v26 =	vld [tilespmem:s1+$0xFFFFFFF0]  }
0x13f: {  	v5 =	vld.idx.msk [tilespmem:v15+s2+$0x0], $0xffff;
	v15 =	vadd.s32 s23, v4  }
0x140: {  	v28 =	vadd.s32 s31, v6;
	v7 =	vld.idx.msk [tilespmem:v21+s2+$0x0], $0xffff  }
0x141: {  	v12 =	vadd.s32 s31, v12;
	v8 =	vld.idx.msk [tilespmem:v23+s2+$0x0], $0xffff  }
0x142: {  	s0 =	sadd.s32 $0x2, s0;
	v13 =	vadd.s32 s31, v13;
	v9 =	vld.idx.msk [tilespmem:v25+s2+$0x0], $0xffff  }
0x143: {  	p0 =	slt.u32 s0, $0x62;
	v14 =	vadd.s32 s31, v14;
	v4 =	vld.idx.msk [tilespmem:v27+s2+$0x0], $0xffff  }
0x144: {  	v20 =	vadd.s32 s31, v20;
	v6 =	vld.idx.msk [tilespmem:v15+s2+$0x0], $0xffff  }
0x145: {  	v21 =	vadd.s32 s31, v22;
	v15 =	vld.idx.msk [tilespmem:v28+s2+$0x0], $0xffff  }
0x146: {  	v23 =	vadd.s32 s31, v24;
	v22 =	vld.idx.msk [tilespmem:v12+s2+$0x0], $0xffff  }
0x147: {  	v25 =	vadd.s32 s31, v26;
	v24 =	vld.idx.msk [tilespmem:v13+s2+$0x0], $0xffff  }
0x148: {  	v10 =	vadd.s32 s23, v10;
	v26 =	vld.idx.msk [tilespmem:v14+s2+$0x0], $0xffff  }
0x149: {  	v12 =	vld.idx.msk [tilespmem:v20+s2+$0x0], $0xffff;
	v20 =	vadd.s32 s23, v11  }
.Ltmp3:
0x14a: {  	v14 =	vld.idx.msk [tilespmem:v21+s2+$0x0], $0xffff;
	(pc) =	sbr.rel @p0 .LBB2_8-.Ltmp3, $4  }
0x14b: {  	v13 =	vld.idx.msk [tilespmem:v23+s2+$0x0], $0xffff  }
0x14c: {  	v11 =	vld.idx.msk [tilespmem:v25+s2+$0x0], $0xffff  }
0x14d: {  	v17 =	vadd.f32 v15, v17;
	v18 =	vadd.f32 v22, v18;
	v10 =	vld.idx.msk [tilespmem:v10+s2+$0x0], $0xffff  }
0x14e: {  	s1 =	sadd.s32 $0x100, s1;
	v19 =	vadd.f32 v24, v19;
	v16 =	vadd.f32 v26, v16;
	v15 =	vld.idx.msk [tilespmem:v20+s2+$0x0], $0xffff  }
0x14f: {  	v5 =	vadd.f32 v5, v17  }
0x150: {  	v7 =	vadd.f32 v7, v18  }
0x151: {  	v0 =	vadd.f32 v12, v0;
	v8 =	vadd.f32 v8, v19;
	[tilespmem:$0x1F980] =	vst v5  }
0x152: {  	v3 =	vadd.f32 v14, v3;
	v62 =	vadd.f32 v9, v16;
	[tilespmem:$0x1F990] =	vst v7  }
0x153: {  	v2 =	vadd.f32 v13, v2;
	v0 =	vadd.f32 v4, v0;
	[tilespmem:$0x1F9A0] =	vst v8  }
0x154: {  	v1 =	vadd.f32 v11, v1;
	v3 =	vadd.f32 v6, v3;
	[tilespmem:$0x1F9B0] =	vst v62  }
0x155: {  	v2 =	vadd.f32 v10, v2;
	[tilespmem:$0x1F9C0] =	vst v0  }
0x156: {  	v63 =	vadd.f32 v15, v1;
	[tilespmem:$0x1F9D0] =	vst v3  }
0x157: {  	[tilespmem:$0x1F9E0] =	vst v2  }
0x158: {  	[tilespmem:$0x1F9F0] =	vst v63  }
0x159: {  	[hbm4b:s13+s2] =	stream.linear.scatter [tilespmem:s28], [sflag:$0x4], $0x80, $0x38;
	[tilespmem:$0x1FA00] =	vst v63  }
0x15a: {  	_ =	swait.ge [sflag:s29], $0x80  }
0x15b: {  	[sflag:s29] =	ssyncset.done $0x0  }
0x15c: {  	[sflag:s29] =	ssyncadd.s32 $0xFFFFFF80  }
0x15d: {  	_ =	swait.ge [sflag:s29], $0x80  }
0x15e: {  	[sflag:s29] =	ssyncset.done $0x0  }
0x15f: {  	s30 =	sadd.s32 $0x1, s30;
	[sflag:s29] =	ssyncadd.s32 $0xFFFFFF80  }
0x160: {  	p0 =	sne.s32 s30, s14;
	_ =	swait.ge [sflag:s29], $0x80  }
.Ltmp4:
0x161: {  	[sflag:s29] =	ssyncset.done $0x0;
	(pc) =	sbr.rel @p0 .LBB2_1-.Ltmp4, $4  }
0x162: {  	[sflag:s29] =	ssyncadd.s32 $0xFFFFFF80  }
0x163: {  	_ =	swait.ge [sflag:s29], $0x80  }
0x164: {  	[sflag:s29] =	ssyncset.done $0x0  }
0x165: {  	[sflag:s29] =	ssyncadd.s32 $0xFFFFFF80  }
0x166: {  	_ =	sfence.sel $0x180000  }
0x167: {  	[bflag:$0x0] =	sbarrier.arrive $0xFFFF  }
0x168: {  	_ =	strace $0x90000047  }
0x169: {  	s0 =	stileid.u32;
	[bflag:$0x2] =	sbarrier.arrive $0xFFFF  }
0x16a: {  	p0 =	sne.s32 s0, $0x0;
	s0 =	rddreg [dreg:$0x3]  }
0x16b: {  	s0 =	sadd.s32 @!p0 $0x100000, s0  }
0x16c: {  	[sflag:s0] =	ssyncadd.tile.s32 @!p0 $0x1;
	_ =	shalt  }
.Lfunc_end2:
_tile_overlayer_lowered:
.L_overlay_start_2:
0x16d: {  	(tag) =	ssettag $0x2  }
0x16e: {  	s0 =	rddreg [dreg:$0x0];
	s2 =	stileid.u32  }
0x16f: {  	s1 =	rddreg [dreg:$0x1];
	p0 =	sne.s32 s2, $0x0  }
0x170: {  	s3 =	rddreg [dreg:$0x2];
	[bflag:$0x3] =	sbarrier.arrive $0xFFFF;
	s2 =	simm.s32 @!p0 $0x1C05  }
0x171: {  	[timem:s3], [sflag:s2] =	dma.local @!p0 [hbm:s0], s1  }
0x172: {  	s0 =	simm.s32 @!p0 $0x5  }
0x173: {  	_ =	swait.ge @!p0 [sflag:s0], s1  }
0x174: {  	s1 =	ssub.s32 @!p0 $0x0, s1;
	[sflag:s0] =	ssyncset.done @!p0 $0x0  }
0x175: {  	[sflag:s0] =	ssyncadd.s32 @!p0 s1  }
0x176: {  	[bflag:$0x3] =	sbarrier.arrive $0xFFFF  }
0x177: {  	_ =	shalt  }

</sc_bundles>
